<compile_context>
chip_gen: v7x
topology: tpu7x:2x2x1
jax: 0.10.2.dev20260603
libtpu: 0.0.44.dev20260713+nightly
codegen_flags: <defaults>
</compile_context>

<pallas_src>
import functools

import jax
import jax.numpy as jnp
from jax import lax
from jax.experimental import pallas as pl
from jax.experimental.pallas import tpu as pltpu
from jax.experimental.pallas import tpu_sc as plsc

B, N = 8, 1024
P = N * N
E = B * P

NC, NS = 2, 16
NW = NC * NS
S = P // NW
VPB = N // 16



def _sc_body(out_hbm, row_v, col_v, sem):
    c = lax.axis_index("c")
    s = lax.axis_index("s")
    wid = s * NC + c
    lane = lax.iota(jnp.int32, 16)

    base = wid * (S // N)
    NCH = 4
    Q = S // NCH

    def fill_row(t, _):
        rval = jnp.broadcast_to(base + (t >> 3), (16,)).astype(jnp.int32)
        for u in range(8):
            row_v[pl.ds((t * 8 + u) * 16, 16)] = rval
        return 0

    def fill_col(t, _):
        for u in range(8):
            m = t * 8 + u
            col_v[pl.ds(m * 16, 16)] = lane + ((m * 16) & (N - 1))
        return 0

    TQ = S // (16 * 8) // NCH

    def fire(plane, buf, q):
        def body(b, _):
            off = b * P + wid * S + q * Q
            pltpu.make_async_copy(
                buf.at[pl.ds(q * Q, Q)], out_hbm.at[plane, pl.ds(off, Q)], sem
            ).start()
            return 0

        lax.fori_loop(0, B, body, 0)

    for q in range(NCH):
        lax.fori_loop(q * TQ, (q + 1) * TQ, fill_row, 0)
        fire(0, row_v, q)
    for q in range(NCH):
        lax.fori_loop(q * TQ, (q + 1) * TQ, fill_col, 0)
        fire(1, col_v, q)

    def drain(t, _):
        pltpu.make_async_copy(
            row_v.at[pl.ds(0, Q)], out_hbm.at[0, pl.ds(0, Q)], sem
        ).wait()
        return 0

    lax.fori_loop(0, 2 * NCH * B, drain, 0)


_sc_edge_index = functools.partial(
    pl.kernel,
    out_type=jax.ShapeDtypeStruct((2, E), jnp.int32),
    mesh=plsc.VectorSubcoreMesh(core_axis_name="c", subcore_axis_name="s"),
    scratch_types=[
        pltpu.VMEM((S,), jnp.int32),
        pltpu.VMEM((S,), jnp.int32),
        pltpu.SemaphoreType.DMA,
    ],
)(_sc_body)



NBLK = 4
C = E // NBLK
BLK_R = C // N


def _tc_body(v_ref, attr_ref):
    attr_ref[...] = (0.5 * jnp.tanh(0.5 * v_ref[...]) + 0.5).reshape(C)


def kernel(V_Adap):
    edge_index = _sc_edge_index()
    v2d = V_Adap.reshape(B * N, N)
    edge_attr = pl.pallas_call(
        _tc_body,
        grid=(NBLK,),
        in_specs=[pl.BlockSpec((BLK_R, N), lambda i: (i, 0))],
        out_specs=pl.BlockSpec((C,), lambda i: (i,)),
        out_shape=jax.ShapeDtypeStruct((E,), jnp.float32),
    )(v2d)
    return edge_index, edge_attr

# --- scband reference (transcript-rebuilt; emitter-appended) ---
"""Pipeline reference for scband-static-adaptive-adjacency-layer-40029095199103 (READ-ONLY COPY).

The authoritative reference and input builder live on the scoring server;
editing this copy changes nothing except your own understanding.
"""

import jax, jax.numpy as jnp
import numpy as np


def setup_inputs(seed: int = 0) -> dict:
    key = jax.random.key(seed)
    V_Adap = jax.random.normal(key, (8, 1024, 1024), dtype=jnp.float32)
    return {"V_Adap": V_Adap}


def _dense_to_sparse_all(A_i):
    # torch_geometric.dense_to_sparse on an all-positive matrix: every entry is
    # a nonzero, enumerated in row-major order (same as torch.nonzero).
    N = A_i.shape[0]
    rows = jnp.repeat(jnp.arange(N, dtype=jnp.int64), N)
    cols = jnp.tile(jnp.arange(N, dtype=jnp.int64), N)
    edge_index = jnp.stack([rows, cols], axis=0)
    edge_attr = A_i.reshape(-1)
    return edge_index, edge_attr


def reference(V_Adap):
    # forward of StaticAdaptiveAdjacencyLayer
    A_Adap = jax.nn.sigmoid(V_Adap)
    batch_size = A_Adap.shape[0]
    edge_index_list = []
    edge_attr_list = []
    for i in range(batch_size):
        ei, ea = _dense_to_sparse_all(A_Adap[i])
        edge_index_list.append(ei)
        edge_attr_list.append(ea)
    edge_index = jnp.concatenate(edge_index_list, axis=1)
    edge_attr = jnp.concatenate(edge_attr_list, axis=0)
    return (edge_index, edge_attr)

if __name__ == "__main__":
    import jax
    _d = setup_inputs()
    print(jax.jit(kernel)(*tuple(_d.values())))

</pallas_src>

<mosaic_0001>
#map = affine_map<(d0, d1) -> (0, 0)>
module attributes {stable_mosaic.version = 14 : i64} {
  func.func @_sc_body(%arg0: i32, %arg1: i32, %arg2: memref<2x8388608xi32, #tpu.memory_space<hbm>>, %arg3: memref<32768xi32, #tpu.memory_space<vmem>>, %arg4: memref<32768xi32, #tpu.memory_space<vmem>>, %arg5: memref<!tpu.dma_semaphore, #tpu.memory_space<semaphore_mem>>) attributes {dimension_semantics = [#tpu.dimension_semantics<core_parallel>, #tpu.dimension_semantics<subcore_parallel>], iteration_bounds = array<i64: 2, 16>, scalar_prefetch = 0 : i64, scratch_operands = 3 : i64, tpu.core_type = #tpu.core_type<sc_vector_subcore>, window_params = [{transform_indices = #map}]} {
    %mul3A = arith.constant 2 : i32
    %mul3A_0 = arith.muli %arg1, %mul3A : i32
    %add3A = arith.addi %mul3A_0, %arg0 : i32
    %iota3A = tpu.iota {dimensions = array<i32: 0>} : vector<16xi32>
    %mul3A_1 = arith.constant 32 : i32
    %mul3A_2 = arith.muli %add3A, %mul3A_1 : i32
    %scan3A = arith.constant 0 : i32
    %scan3A_3 = arith.constant 0 : i32
    %scan3A_4 = arith.constant 64 : i32
    %scan3A_5 = arith.addi %scan3A_3, %scan3A_4 : i32
    %scan3A_6 = arith.constant 1 : i32
    %scan3A_7 = scf.for %scan3A_121 = %scan3A_3 to %scan3A_5 step %scan3A_6 iter_args(%scan3A_122 = %scan3A) -> (i32)  : i32 {
      %shift_right_arithmetic3A = arith.constant 3 : i32
      %shift_right_arithmetic3A_123 = arith.shrsi %scan3A_121, %shift_right_arithmetic3A : i32
      %add3A_124 = arith.addi %mul3A_2, %shift_right_arithmetic3A_123 : i32
      %broadcast_in_dim3A = vector.broadcast %add3A_124 : i32 to vector<16xi32>
      %mul3A_125 = arith.constant 8 : i32
      %mul3A_126 = arith.muli %scan3A_121, %mul3A_125 : i32
      %add3A_127 = arith.constant 0 : i32
      %add3A_128 = arith.addi %mul3A_126, %add3A_127 : i32
      %mul3A_129 = arith.constant 16 : i32
      %mul3A_130 = arith.muli %add3A_128, %mul3A_129 : i32
      %swap3A = arith.index_cast %mul3A_130 : i32 to index
      %swap3A_131 = tpu.vector_load %arg3[%swap3A] {strides = array<i32>} : memref<32768xi32, #tpu.memory_space<vmem>>, vector<16xi32>,
      %swap3A_132 = vector.shape_cast %swap3A_131 : vector<16xi32> to vector<16xi32>
      %swap3A_133 = vector.shape_cast %broadcast_in_dim3A : vector<16xi32> to vector<16xi32>
      tpu.vector_store %arg3[%swap3A], %swap3A_133 {strides = array<i32>} : memref<32768xi32, #tpu.memory_space<vmem>>, vector<16xi32>,
      %mul3A_134 = arith.constant 8 : i32
      %mul3A_135 = arith.muli %scan3A_121, %mul3A_134 : i32
      %add3A_136 = arith.constant 1 : i32
      %add3A_137 = arith.addi %mul3A_135, %add3A_136 : i32
      %mul3A_138 = arith.constant 16 : i32
      %mul3A_139 = arith.muli %add3A_137, %mul3A_138 : i32
      %swap3A_140 = arith.index_cast %mul3A_139 : i32 to index
      %swap3A_141 = tpu.vector_load %arg3[%swap3A_140] {strides = array<i32>} : memref<32768xi32, #tpu.memory_space<vmem>>, vector<16xi32>,
      %swap3A_142 = vector.shape_cast %swap3A_141 : vector<16xi32> to vector<16xi32>
      %swap3A_143 = vector.shape_cast %broadcast_in_dim3A : vector<16xi32> to vector<16xi32>
      tpu.vector_store %arg3[%swap3A_140], %swap3A_143 {strides = array<i32>} : memref<32768xi32, #tpu.memory_space<vmem>>, vector<16xi32>,
      %mul3A_144 = arith.constant 8 : i32
      %mul3A_145 = arith.muli %scan3A_121, %mul3A_144 : i32
      %add3A_146 = arith.constant 2 : i32
      %add3A_147 = arith.addi %mul3A_145, %add3A_146 : i32
      %mul3A_148 = arith.constant 16 : i32
      %mul3A_149 = arith.muli %add3A_147, %mul3A_148 : i32
      %swap3A_150 = arith.index_cast %mul3A_149 : i32 to index
      %swap3A_151 = tpu.vector_load %arg3[%swap3A_150] {strides = array<i32>} : memref<32768xi32, #tpu.memory_space<vmem>>, vector<16xi32>,
      %swap3A_152 = vector.shape_cast %swap3A_151 : vector<16xi32> to vector<16xi32>
      %swap3A_153 = vector.shape_cast %broadcast_in_dim3A : vector<16xi32> to vector<16xi32>
      tpu.vector_store %arg3[%swap3A_150], %swap3A_153 {strides = array<i32>} : memref<32768xi32, #tpu.memory_space<vmem>>, vector<16xi32>,
      %mul3A_154 = arith.constant 8 : i32
      %mul3A_155 = arith.muli %scan3A_121, %mul3A_154 : i32
      %add3A_156 = arith.constant 3 : i32
      %add3A_157 = arith.addi %mul3A_155, %add3A_156 : i32
      %mul3A_158 = arith.constant 16 : i32
      %mul3A_159 = arith.muli %add3A_157, %mul3A_158 : i32
      %swap3A_160 = arith.index_cast %mul3A_159 : i32 to index
      %swap3A_161 = tpu.vector_load %arg3[%swap3A_160] {strides = array<i32>} : memref<32768xi32, #tpu.memory_space<vmem>>, vector<16xi32>,
      %swap3A_162 = vector.shape_cast %swap3A_161 : vector<16xi32> to vector<16xi32>
      %swap3A_163 = vector.shape_cast %broadcast_in_dim3A : vector<16xi32> to vector<16xi32>
      tpu.vector_store %arg3[%swap3A_160], %swap3A_163 {strides = array<i32>} : memref<32768xi32, #tpu.memory_space<vmem>>, vector<16xi32>,
      %mul3A_164 = arith.constant 8 : i32
      %mul3A_165 = arith.muli %scan3A_121, %mul3A_164 : i32
      %add3A_166 = arith.constant 4 : i32
      %add3A_167 = arith.addi %mul3A_165, %add3A_166 : i32
      %mul3A_168 = arith.constant 16 : i32
      %mul3A_169 = arith.muli %add3A_167, %mul3A_168 : i32
      %swap3A_170 = arith.index_cast %mul3A_169 : i32 to index
      %swap3A_171 = tpu.vector_load %arg3[%swap3A_170] {strides = array<i32>} : memref<32768xi32, #tpu.memory_space<vmem>>, vector<16xi32>,
      %swap3A_172 = vector.shape_cast %swap3A_171 : vector<16xi32> to vector<16xi32>
      %swap3A_173 = vector.shape_cast %broadcast_in_dim3A : vector<16xi32> to vector<16xi32>
      tpu.vector_store %arg3[%swap3A_170], %swap3A_173 {strides = array<i32>} : memref<32768xi32, #tpu.memory_space<vmem>>, vector<16xi32>,
      %mul3A_174 = arith.constant 8 : i32
      %mul3A_175 = arith.muli %scan3A_121, %mul3A_174 : i32
      %add3A_176 = arith.constant 5 : i32
      %add3A_177 = arith.addi %mul3A_175, %add3A_176 : i32
      %mul3A_178 = arith.constant 16 : i32
      %mul3A_179 = arith.muli %add3A_177, %mul3A_178 : i32
      %swap3A_180 = arith.index_cast %mul3A_179 : i32 to index
      %swap3A_181 = tpu.vector_load %arg3[%swap3A_180] {strides = array<i32>} : memref<32768xi32, #tpu.memory_space<vmem>>, vector<16xi32>,
      %swap3A_182 = vector.shape_cast %swap3A_181 : vector<16xi32> to vector<16xi32>
      %swap3A_183 = vector.shape_cast %broadcast_in_dim3A : vector<16xi32> to vector<16xi32>
      tpu.vector_store %arg3[%swap3A_180], %swap3A_183 {strides = array<i32>} : memref<32768xi32, #tpu.memory_space<vmem>>, vector<16xi32>,
      %mul3A_184 = arith.constant 8 : i32
      %mul3A_185 = arith.muli %scan3A_121, %mul3A_184 : i32
      %add3A_186 = arith.constant 6 : i32
      %add3A_187 = arith.addi %mul3A_185, %add3A_186 : i32
      %mul3A_188 = arith.constant 16 : i32
      %mul3A_189 = arith.muli %add3A_187, %mul3A_188 : i32
      %swap3A_190 = arith.index_cast %mul3A_189 : i32 to index
      %swap3A_191 = tpu.vector_load %arg3[%swap3A_190] {strides = array<i32>} : memref<32768xi32, #tpu.memory_space<vmem>>, vector<16xi32>,
      %swap3A_192 = vector.shape_cast %swap3A_191 : vector<16xi32> to vector<16xi32>
      %swap3A_193 = vector.shape_cast %broadcast_in_dim3A : vector<16xi32> to vector<16xi32>
      tpu.vector_store %arg3[%swap3A_190], %swap3A_193 {strides = array<i32>} : memref<32768xi32, #tpu.memory_space<vmem>>, vector<16xi32>,
      %mul3A_194 = arith.constant 8 : i32
      %mul3A_195 = arith.muli %scan3A_121, %mul3A_194 : i32
      %add3A_196 = arith.constant 7 : i32
      %add3A_197 = arith.addi %mul3A_195, %add3A_196 : i32
      %mul3A_198 = arith.constant 16 : i32
      %mul3A_199 = arith.muli %add3A_197, %mul3A_198 : i32
      %swap3A_200 = arith.index_cast %mul3A_199 : i32 to index
      %swap3A_201 = tpu.vector_load %arg3[%swap3A_200] {strides = array<i32>} : memref<32768xi32, #tpu.memory_space<vmem>>, vector<16xi32>,
      %swap3A_202 = vector.shape_cast %swap3A_201 : vector<16xi32> to vector<16xi32>
      %swap3A_203 = vector.shape_cast %broadcast_in_dim3A : vector<16xi32> to vector<16xi32>
      tpu.vector_store %arg3[%swap3A_200], %swap3A_203 {strides = array<i32>} : memref<32768xi32, #tpu.memory_space<vmem>>, vector<16xi32>,
      %scan3A_204 = arith.constant 0 : i32
      scf.yield %scan3A_204 : i32
    }
    %scan3A_8 = arith.constant 64 : i32
    %scan3A_9 = arith.constant 0 : i32
    %scan3A_10 = arith.constant 0 : i32
    %scan3A_11 = arith.constant 8 : i32
    %scan3A_12 = arith.addi %scan3A_10, %scan3A_11 : i32
    %scan3A_13 = arith.constant 1 : i32
    %scan3A_14 = scf.for %scan3A_121 = %scan3A_10 to %scan3A_12 step %scan3A_13 iter_args(%scan3A_122 = %scan3A_9) -> (i32)  : i32 {
      %mul3A_123 = arith.constant 1048576 : i32
      %mul3A_124 = arith.muli %scan3A_121, %mul3A_123 : i32
      %mul3A_125 = arith.constant 32768 : i32
      %mul3A_126 = arith.muli %add3A, %mul3A_125 : i32
      %add3A_127 = arith.addi %mul3A_124, %mul3A_126 : i32
      %add3A_128 = arith.constant 0 : i32
      %add3A_129 = arith.addi %add3A_127, %add3A_128 : i32
      %dma_start3A = arith.constant 0 : i32
      %dma_start3A_130 = arith.constant 0 : i32
      %dma_start3A_131 = tpu.memref_slice %arg3[%dma_start3A_130] : memref<32768xi32, #tpu.memory_space<vmem>> -> memref<8192xi32, #tpu.memory_space<vmem>>
      %dma_start3A_132 = tpu.memref_slice %arg2[%dma_start3A, %add3A_129] : memref<2x8388608xi32, #tpu.memory_space<hbm>> -> memref<1x8192xi32, #tpu.memory_space<hbm>>
      %dma_start3A_133 = tpu.memref_squeeze %dma_start3A_132 : memref<1x8192xi32, #tpu.memory_space<hbm>> -> memref<8192xi32, #tpu.memory_space<hbm>>
      %dma_start3A_134 = tpu.memref_slice %arg2[%dma_start3A, %add3A_129] : memref<2x8388608xi32, #tpu.memory_space<hbm>> -> memref<1x8192xi32, #tpu.memory_space<hbm>>
      %dma_start3A_135 = tpu.memref_squeeze %dma_start3A_134 : memref<1x8192xi32, #tpu.memory_space<hbm>> -> memref<8192xi32, #tpu.memory_space<hbm>>
      %dma_start3A_136 = arith.constant 0 : i32
      %dma_start3A_137 = tpu.memref_slice %arg3[%dma_start3A_136] : memref<32768xi32, #tpu.memory_space<vmem>> -> memref<8192xi32, #tpu.memory_space<vmem>>
      tpu.enqueue_dma source(%dma_start3A_137 : memref<8192xi32, #tpu.memory_space<vmem>>) target(%dma_start3A_135 : memref<8192xi32, #tpu.memory_space<hbm>>) target_semaphore(%arg5 : memref<!tpu.dma_semaphore, #tpu.memory_space<semaphore_mem>>)
      %scan3A_138 = arith.constant 0 : i32
      scf.yield %scan3A_138 : i32
    }
    %scan3A_15 = arith.constant 8 : i32
    %scan3A_16 = arith.constant 0 : i32
    %scan3A_17 = arith.constant 64 : i32
    %scan3A_18 = arith.constant 64 : i32
    %scan3A_19 = arith.addi %scan3A_17, %scan3A_18 : i32
    %scan3A_20 = arith.constant 1 : i32
    %scan3A_21 = scf.for %scan3A_121 = %scan3A_17 to %scan3A_19 step %scan3A_20 iter_args(%scan3A_122 = %scan3A_16) -> (i32)  : i32 {
      %shift_right_arithmetic3A = arith.constant 3 : i32
      %shift_right_arithmetic3A_123 = arith.shrsi %scan3A_121, %shift_right_arithmetic3A : i32
      %add3A_124 = arith.addi %mul3A_2, %shift_right_arithmetic3A_123 : i32
      %broadcast_in_dim3A = vector.broadcast %add3A_124 : i32 to vector<16xi32>
      %mul3A_125 = arith.constant 8 : i32
      %mul3A_126 = arith.muli %scan3A_121, %mul3A_125 : i32
      %add3A_127 = arith.constant 0 : i32
      %add3A_128 = arith.addi %mul3A_126, %add3A_127 : i32
      %mul3A_129 = arith.constant 16 : i32
      %mul3A_130 = arith.muli %add3A_128, %mul3A_129 : i32
      %swap3A = arith.index_cast %mul3A_130 : i32 to index
      %swap3A_131 = tpu.vector_load %arg3[%swap3A] {strides = array<i32>} : memref<32768xi32, #tpu.memory_space<vmem>>, vector<16xi32>,
      %swap3A_132 = vector.shape_cast %swap3A_131 : vector<16xi32> to vector<16xi32>
      %swap3A_133 = vector.shape_cast %broadcast_in_dim3A : vector<16xi32> to vector<16xi32>
      tpu.vector_store %arg3[%swap3A], %swap3A_133 {strides = array<i32>} : memref<32768xi32, #tpu.memory_space<vmem>>, vector<16xi32>,
      %mul3A_134 = arith.constant 8 : i32
      %mul3A_135 = arith.muli %scan3A_121, %mul3A_134 : i32
      %add3A_136 = arith.constant 1 : i32
      %add3A_137 = arith.addi %mul3A_135, %add3A_136 : i32
      %mul3A_138 = arith.constant 16 : i32
      %mul3A_139 = arith.muli %add3A_137, %mul3A_138 : i32
      %swap3A_140 = arith.index_cast %mul3A_139 : i32 to index
      %swap3A_141 = tpu.vector_load %arg3[%swap3A_140] {strides = array<i32>} : memref<32768xi32, #tpu.memory_space<vmem>>, vector<16xi32>,
      %swap3A_142 = vector.shape_cast %swap3A_141 : vector<16xi32> to vector<16xi32>
      %swap3A_143 = vector.shape_cast %broadcast_in_dim3A : vector<16xi32> to vector<16xi32>
      tpu.vector_store %arg3[%swap3A_140], %swap3A_143 {strides = array<i32>} : memref<32768xi32, #tpu.memory_space<vmem>>, vector<16xi32>,
      %mul3A_144 = arith.constant 8 : i32
      %mul3A_145 = arith.muli %scan3A_121, %mul3A_144 : i32
      %add3A_146 = arith.constant 2 : i32
      %add3A_147 = arith.addi %mul3A_145, %add3A_146 : i32
      %mul3A_148 = arith.constant 16 : i32
      %mul3A_149 = arith.muli %add3A_147, %mul3A_148 : i32
      %swap3A_150 = arith.index_cast %mul3A_149 : i32 to index
      %swap3A_151 = tpu.vector_load %arg3[%swap3A_150] {strides = array<i32>} : memref<32768xi32, #tpu.memory_space<vmem>>, vector<16xi32>,
      %swap3A_152 = vector.shape_cast %swap3A_151 : vector<16xi32> to vector<16xi32>
      %swap3A_153 = vector.shape_cast %broadcast_in_dim3A : vector<16xi32> to vector<16xi32>
      tpu.vector_store %arg3[%swap3A_150], %swap3A_153 {strides = array<i32>} : memref<32768xi32, #tpu.memory_space<vmem>>, vector<16xi32>,
      %mul3A_154 = arith.constant 8 : i32
      %mul3A_155 = arith.muli %scan3A_121, %mul3A_154 : i32
      %add3A_156 = arith.constant 3 : i32
      %add3A_157 = arith.addi %mul3A_155, %add3A_156 : i32
      %mul3A_158 = arith.constant 16 : i32
      %mul3A_159 = arith.muli %add3A_157, %mul3A_158 : i32
      %swap3A_160 = arith.index_cast %mul3A_159 : i32 to index
      %swap3A_161 = tpu.vector_load %arg3[%swap3A_160] {strides = array<i32>} : memref<32768xi32, #tpu.memory_space<vmem>>, vector<16xi32>,
      %swap3A_162 = vector.shape_cast %swap3A_161 : vector<16xi32> to vector<16xi32>
      %swap3A_163 = vector.shape_cast %broadcast_in_dim3A : vector<16xi32> to vector<16xi32>
      tpu.vector_store %arg3[%swap3A_160], %swap3A_163 {strides = array<i32>} : memref<32768xi32, #tpu.memory_space<vmem>>, vector<16xi32>,
      %mul3A_164 = arith.constant 8 : i32
      %mul3A_165 = arith.muli %scan3A_121, %mul3A_164 : i32
      %add3A_166 = arith.constant 4 : i32
      %add3A_167 = arith.addi %mul3A_165, %add3A_166 : i32
      %mul3A_168 = arith.constant 16 : i32
      %mul3A_169 = arith.muli %add3A_167, %mul3A_168 : i32
      %swap3A_170 = arith.index_cast %mul3A_169 : i32 to index
      %swap3A_171 = tpu.vector_load %arg3[%swap3A_170] {strides = array<i32>} : memref<32768xi32, #tpu.memory_space<vmem>>, vector<16xi32>,
      %swap3A_172 = vector.shape_cast %swap3A_171 : vector<16xi32> to vector<16xi32>
      %swap3A_173 = vector.shape_cast %broadcast_in_dim3A : vector<16xi32> to vector<16xi32>
      tpu.vector_store %arg3[%swap3A_170], %swap3A_173 {strides = array<i32>} : memref<32768xi32, #tpu.memory_space<vmem>>, vector<16xi32>,
      %mul3A_174 = arith.constant 8 : i32
      %mul3A_175 = arith.muli %scan3A_121, %mul3A_174 : i32
      %add3A_176 = arith.constant 5 : i32
      %add3A_177 = arith.addi %mul3A_175, %add3A_176 : i32
      %mul3A_178 = arith.constant 16 : i32
      %mul3A_179 = arith.muli %add3A_177, %mul3A_178 : i32
      %swap3A_180 = arith.index_cast %mul3A_179 : i32 to index
      %swap3A_181 = tpu.vector_load %arg3[%swap3A_180] {strides = array<i32>} : memref<32768xi32, #tpu.memory_space<vmem>>, vector<16xi32>,
      %swap3A_182 = vector.shape_cast %swap3A_181 : vector<16xi32> to vector<16xi32>
      %swap3A_183 = vector.shape_cast %broadcast_in_dim3A : vector<16xi32> to vector<16xi32>
      tpu.vector_store %arg3[%swap3A_180], %swap3A_183 {strides = array<i32>} : memref<32768xi32, #tpu.memory_space<vmem>>, vector<16xi32>,
      %mul3A_184 = arith.constant 8 : i32
      %mul3A_185 = arith.muli %scan3A_121, %mul3A_184 : i32
      %add3A_186 = arith.constant 6 : i32
      %add3A_187 = arith.addi %mul3A_185, %add3A_186 : i32
      %mul3A_188 = arith.constant 16 : i32
      %mul3A_189 = arith.muli %add3A_187, %mul3A_188 : i32
      %swap3A_190 = arith.index_cast %mul3A_189 : i32 to index
      %swap3A_191 = tpu.vector_load %arg3[%swap3A_190] {strides = array<i32>} : memref<32768xi32, #tpu.memory_space<vmem>>, vector<16xi32>,
      %swap3A_192 = vector.shape_cast %swap3A_191 : vector<16xi32> to vector<16xi32>
      %swap3A_193 = vector.shape_cast %broadcast_in_dim3A : vector<16xi32> to vector<16xi32>
      tpu.vector_store %arg3[%swap3A_190], %swap3A_193 {strides = array<i32>} : memref<32768xi32, #tpu.memory_space<vmem>>, vector<16xi32>,
      %mul3A_194 = arith.constant 8 : i32
      %mul3A_195 = arith.muli %scan3A_121, %mul3A_194 : i32
      %add3A_196 = arith.constant 7 : i32
      %add3A_197 = arith.addi %mul3A_195, %add3A_196 : i32
      %mul3A_198 = arith.constant 16 : i32
      %mul3A_199 = arith.muli %add3A_197, %mul3A_198 : i32
      %swap3A_200 = arith.index_cast %mul3A_199 : i32 to index
      %swap3A_201 = tpu.vector_load %arg3[%swap3A_200] {strides = array<i32>} : memref<32768xi32, #tpu.memory_space<vmem>>, vector<16xi32>,
      %swap3A_202 = vector.shape_cast %swap3A_201 : vector<16xi32> to vector<16xi32>
      %swap3A_203 = vector.shape_cast %broadcast_in_dim3A : vector<16xi32> to vector<16xi32>
      tpu.vector_store %arg3[%swap3A_200], %swap3A_203 {strides = array<i32>} : memref<32768xi32, #tpu.memory_space<vmem>>, vector<16xi32>,
      %scan3A_204 = arith.constant 0 : i32
      scf.yield %scan3A_204 : i32
    }
    %scan3A_22 = arith.constant 64 : i32
    %scan3A_23 = arith.constant 0 : i32
    %scan3A_24 = arith.constant 0 : i32
    %scan3A_25 = arith.constant 8 : i32
    %scan3A_26 = arith.addi %scan3A_24, %scan3A_25 : i32
    %scan3A_27 = arith.constant 1 : i32
    %scan3A_28 = scf.for %scan3A_121 = %scan3A_24 to %scan3A_26 step %scan3A_27 iter_args(%scan3A_122 = %scan3A_23) -> (i32)  : i32 {
      %mul3A_123 = arith.constant 1048576 : i32
      %mul3A_124 = arith.muli %scan3A_121, %mul3A_123 : i32
      %mul3A_125 = arith.constant 32768 : i32
      %mul3A_126 = arith.muli %add3A, %mul3A_125 : i32
      %add3A_127 = arith.addi %mul3A_124, %mul3A_126 : i32
      %add3A_128 = arith.constant 8192 : i32
      %add3A_129 = arith.addi %add3A_127, %add3A_128 : i32
      %dma_start3A = arith.constant 0 : i32
      %dma_start3A_130 = arith.constant 8192 : i32
      %dma_start3A_131 = tpu.memref_slice %arg3[%dma_start3A_130] : memref<32768xi32, #tpu.memory_space<vmem>> -> memref<8192xi32, #tpu.memory_space<vmem>>
      %dma_start3A_132 = tpu.memref_slice %arg2[%dma_start3A, %add3A_129] : memref<2x8388608xi32, #tpu.memory_space<hbm>> -> memref<1x8192xi32, #tpu.memory_space<hbm>>
      %dma_start3A_133 = tpu.memref_squeeze %dma_start3A_132 : memref<1x8192xi32, #tpu.memory_space<hbm>> -> memref<8192xi32, #tpu.memory_space<hbm>>
      %dma_start3A_134 = tpu.memref_slice %arg2[%dma_start3A, %add3A_129] : memref<2x8388608xi32, #tpu.memory_space<hbm>> -> memref<1x8192xi32, #tpu.memory_space<hbm>>
      %dma_start3A_135 = tpu.memref_squeeze %dma_start3A_134 : memref<1x8192xi32, #tpu.memory_space<hbm>> -> memref<8192xi32, #tpu.memory_space<hbm>>
      %dma_start3A_136 = arith.constant 8192 : i32
      %dma_start3A_137 = tpu.memref_slice %arg3[%dma_start3A_136] : memref<32768xi32, #tpu.memory_space<vmem>> -> memref<8192xi32, #tpu.memory_space<vmem>>
      tpu.enqueue_dma source(%dma_start3A_137 : memref<8192xi32, #tpu.memory_space<vmem>>) target(%dma_start3A_135 : memref<8192xi32, #tpu.memory_space<hbm>>) target_semaphore(%arg5 : memref<!tpu.dma_semaphore, #tpu.memory_space<semaphore_mem>>)
      %scan3A_138 = arith.constant 0 : i32
      scf.yield %scan3A_138 : i32
    }
    %scan3A_29 = arith.constant 8 : i32
    %scan3A_30 = arith.constant 0 : i32
    %scan3A_31 = arith.constant 128 : i32
    %scan3A_32 = arith.constant 64 : i32
    %scan3A_33 = arith.addi %scan3A_31, %scan3A_32 : i32
    %scan3A_34 = arith.constant 1 : i32
    %scan3A_35 = scf.for %scan3A_121 = %scan3A_31 to %scan3A_33 step %scan3A_34 iter_args(%scan3A_122 = %scan3A_30) -> (i32)  : i32 {
      %shift_right_arithmetic3A = arith.constant 3 : i32
      %shift_right_arithmetic3A_123 = arith.shrsi %scan3A_121, %shift_right_arithmetic3A : i32
      %add3A_124 = arith.addi %mul3A_2, %shift_right_arithmetic3A_123 : i32
      %broadcast_in_dim3A = vector.broadcast %add3A_124 : i32 to vector<16xi32>
      %mul3A_125 = arith.constant 8 : i32
      %mul3A_126 = arith.muli %scan3A_121, %mul3A_125 : i32
      %add3A_127 = arith.constant 0 : i32
      %add3A_128 = arith.addi %mul3A_126, %add3A_127 : i32
      %mul3A_129 = arith.constant 16 : i32
      %mul3A_130 = arith.muli %add3A_128, %mul3A_129 : i32
      %swap3A = arith.index_cast %mul3A_130 : i32 to index
      %swap3A_131 = tpu.vector_load %arg3[%swap3A] {strides = array<i32>} : memref<32768xi32, #tpu.memory_space<vmem>>, vector<16xi32>,
      %swap3A_132 = vector.shape_cast %swap3A_131 : vector<16xi32> to vector<16xi32>
      %swap3A_133 = vector.shape_cast %broadcast_in_dim3A : vector<16xi32> to vector<16xi32>
      tpu.vector_store %arg3[%swap3A], %swap3A_133 {strides = array<i32>} : memref<32768xi32, #tpu.memory_space<vmem>>, vector<16xi32>,
      %mul3A_134 = arith.constant 8 : i32
      %mul3A_135 = arith.muli %scan3A_121, %mul3A_134 : i32
      %add3A_136 = arith.constant 1 : i32
      %add3A_137 = arith.addi %mul3A_135, %add3A_136 : i32
      %mul3A_138 = arith.constant 16 : i32
      %mul3A_139 = arith.muli %add3A_137, %mul3A_138 : i32
      %swap3A_140 = arith.index_cast %mul3A_139 : i32 to index
      %swap3A_141 = tpu.vector_load %arg3[%swap3A_140] {strides = array<i32>} : memref<32768xi32, #tpu.memory_space<vmem>>, vector<16xi32>,
      %swap3A_142 = vector.shape_cast %swap3A_141 : vector<16xi32> to vector<16xi32>
      %swap3A_143 = vector.shape_cast %broadcast_in_dim3A : vector<16xi32> to vector<16xi32>
      tpu.vector_store %arg3[%swap3A_140], %swap3A_143 {strides = array<i32>} : memref<32768xi32, #tpu.memory_space<vmem>>, vector<16xi32>,
      %mul3A_144 = arith.constant 8 : i32
      %mul3A_145 = arith.muli %scan3A_121, %mul3A_144 : i32
      %add3A_146 = arith.constant 2 : i32
      %add3A_147 = arith.addi %mul3A_145, %add3A_146 : i32
      %mul3A_148 = arith.constant 16 : i32
      %mul3A_149 = arith.muli %add3A_147, %mul3A_148 : i32
      %swap3A_150 = arith.index_cast %mul3A_149 : i32 to index
      %swap3A_151 = tpu.vector_load %arg3[%swap3A_150] {strides = array<i32>} : memref<32768xi32, #tpu.memory_space<vmem>>, vector<16xi32>,
      %swap3A_152 = vector.shape_cast %swap3A_151 : vector<16xi32> to vector<16xi32>
      %swap3A_153 = vector.shape_cast %broadcast_in_dim3A : vector<16xi32> to vector<16xi32>
      tpu.vector_store %arg3[%swap3A_150], %swap3A_153 {strides = array<i32>} : memref<32768xi32, #tpu.memory_space<vmem>>, vector<16xi32>,
      %mul3A_154 = arith.constant 8 : i32
      %mul3A_155 = arith.muli %scan3A_121, %mul3A_154 : i32
      %add3A_156 = arith.constant 3 : i32
      %add3A_157 = arith.addi %mul3A_155, %add3A_156 : i32
      %mul3A_158 = arith.constant 16 : i32
      %mul3A_159 = arith.muli %add3A_157, %mul3A_158 : i32
      %swap3A_160 = arith.index_cast %mul3A_159 : i32 to index
      %swap3A_161 = tpu.vector_load %arg3[%swap3A_160] {strides = array<i32>} : memref<32768xi32, #tpu.memory_space<vmem>>, vector<16xi32>,
      %swap3A_162 = vector.shape_cast %swap3A_161 : vector<16xi32> to vector<16xi32>
      %swap3A_163 = vector.shape_cast %broadcast_in_dim3A : vector<16xi32> to vector<16xi32>
      tpu.vector_store %arg3[%swap3A_160], %swap3A_163 {strides = array<i32>} : memref<32768xi32, #tpu.memory_space<vmem>>, vector<16xi32>,
      %mul3A_164 = arith.constant 8 : i32
      %mul3A_165 = arith.muli %scan3A_121, %mul3A_164 : i32
      %add3A_166 = arith.constant 4 : i32
      %add3A_167 = arith.addi %mul3A_165, %add3A_166 : i32
      %mul3A_168 = arith.constant 16 : i32
      %mul3A_169 = arith.muli %add3A_167, %mul3A_168 : i32
      %swap3A_170 = arith.index_cast %mul3A_169 : i32 to index
      %swap3A_171 = tpu.vector_load %arg3[%swap3A_170] {strides = array<i32>} : memref<32768xi32, #tpu.memory_space<vmem>>, vector<16xi32>,
      %swap3A_172 = vector.shape_cast %swap3A_171 : vector<16xi32> to vector<16xi32>
      %swap3A_173 = vector.shape_cast %broadcast_in_dim3A : vector<16xi32> to vector<16xi32>
      tpu.vector_store %arg3[%swap3A_170], %swap3A_173 {strides = array<i32>} : memref<32768xi32, #tpu.memory_space<vmem>>, vector<16xi32>,
      %mul3A_174 = arith.constant 8 : i32
      %mul3A_175 = arith.muli %scan3A_121, %mul3A_174 : i32
      %add3A_176 = arith.constant 5 : i32
      %add3A_177 = arith.addi %mul3A_175, %add3A_176 : i32
      %mul3A_178 = arith.constant 16 : i32
      %mul3A_179 = arith.muli %add3A_177, %mul3A_178 : i32
      %swap3A_180 = arith.index_cast %mul3A_179 : i32 to index
      %swap3A_181 = tpu.vector_load %arg3[%swap3A_180] {strides = array<i32>} : memref<32768xi32, #tpu.memory_space<vmem>>, vector<16xi32>,
      %swap3A_182 = vector.shape_cast %swap3A_181 : vector<16xi32> to vector<16xi32>
      %swap3A_183 = vector.shape_cast %broadcast_in_dim3A : vector<16xi32> to vector<16xi32>
      tpu.vector_store %arg3[%swap3A_180], %swap3A_183 {strides = array<i32>} : memref<32768xi32, #tpu.memory_space<vmem>>, vector<16xi32>,
      %mul3A_184 = arith.constant 8 : i32
      %mul3A_185 = arith.muli %scan3A_121, %mul3A_184 : i32
      %add3A_186 = arith.constant 6 : i32
      %add3A_187 = arith.addi %mul3A_185, %add3A_186 : i32
      %mul3A_188 = arith.constant 16 : i32
      %mul3A_189 = arith.muli %add3A_187, %mul3A_188 : i32
      %swap3A_190 = arith.index_cast %mul3A_189 : i32 to index
      %swap3A_191 = tpu.vector_load %arg3[%swap3A_190] {strides = array<i32>} : memref<32768xi32, #tpu.memory_space<vmem>>, vector<16xi32>,
      %swap3A_192 = vector.shape_cast %swap3A_191 : vector<16xi32> to vector<16xi32>
      %swap3A_193 = vector.shape_cast %broadcast_in_dim3A : vector<16xi32> to vector<16xi32>
      tpu.vector_store %arg3[%swap3A_190], %swap3A_193 {strides = array<i32>} : memref<32768xi32, #tpu.memory_space<vmem>>, vector<16xi32>,
      %mul3A_194 = arith.constant 8 : i32
      %mul3A_195 = arith.muli %scan3A_121, %mul3A_194 : i32
      %add3A_196 = arith.constant 7 : i32
      %add3A_197 = arith.addi %mul3A_195, %add3A_196 : i32
      %mul3A_198 = arith.constant 16 : i32
      %mul3A_199 = arith.muli %add3A_197, %mul3A_198 : i32
      %swap3A_200 = arith.index_cast %mul3A_199 : i32 to index
      %swap3A_201 = tpu.vector_load %arg3[%swap3A_200] {strides = array<i32>} : memref<32768xi32, #tpu.memory_space<vmem>>, vector<16xi32>,
      %swap3A_202 = vector.shape_cast %swap3A_201 : vector<16xi32> to vector<16xi32>
      %swap3A_203 = vector.shape_cast %broadcast_in_dim3A : vector<16xi32> to vector<16xi32>
      tpu.vector_store %arg3[%swap3A_200], %swap3A_203 {strides = array<i32>} : memref<32768xi32, #tpu.memory_space<vmem>>, vector<16xi32>,
      %scan3A_204 = arith.constant 0 : i32
      scf.yield %scan3A_204 : i32
    }
    %scan3A_36 = arith.constant 64 : i32
    %scan3A_37 = arith.constant 0 : i32
    %scan3A_38 = arith.constant 0 : i32
    %scan3A_39 = arith.constant 8 : i32
    %scan3A_40 = arith.addi %scan3A_38, %scan3A_39 : i32
    %scan3A_41 = arith.constant 1 : i32
    %scan3A_42 = scf.for %scan3A_121 = %scan3A_38 to %scan3A_40 step %scan3A_41 iter_args(%scan3A_122 = %scan3A_37) -> (i32)  : i32 {
      %mul3A_123 = arith.constant 1048576 : i32
      %mul3A_124 = arith.muli %scan3A_121, %mul3A_123 : i32
      %mul3A_125 = arith.constant 32768 : i32
      %mul3A_126 = arith.muli %add3A, %mul3A_125 : i32
      %add3A_127 = arith.addi %mul3A_124, %mul3A_126 : i32
      %add3A_128 = arith.constant 16384 : i32
      %add3A_129 = arith.addi %add3A_127, %add3A_128 : i32
      %dma_start3A = arith.constant 0 : i32
      %dma_start3A_130 = arith.constant 16384 : i32
      %dma_start3A_131 = tpu.memref_slice %arg3[%dma_start3A_130] : memref<32768xi32, #tpu.memory_space<vmem>> -> memref<8192xi32, #tpu.memory_space<vmem>>
      %dma_start3A_132 = tpu.memref_slice %arg2[%dma_start3A, %add3A_129] : memref<2x8388608xi32, #tpu.memory_space<hbm>> -> memref<1x8192xi32, #tpu.memory_space<hbm>>
      %dma_start3A_133 = tpu.memref_squeeze %dma_start3A_132 : memref<1x8192xi32, #tpu.memory_space<hbm>> -> memref<8192xi32, #tpu.memory_space<hbm>>
      %dma_start3A_134 = tpu.memref_slice %arg2[%dma_start3A, %add3A_129] : memref<2x8388608xi32, #tpu.memory_space<hbm>> -> memref<1x8192xi32, #tpu.memory_space<hbm>>
      %dma_start3A_135 = tpu.memref_squeeze %dma_start3A_134 : memref<1x8192xi32, #tpu.memory_space<hbm>> -> memref<8192xi32, #tpu.memory_space<hbm>>
      %dma_start3A_136 = arith.constant 16384 : i32
      %dma_start3A_137 = tpu.memref_slice %arg3[%dma_start3A_136] : memref<32768xi32, #tpu.memory_space<vmem>> -> memref<8192xi32, #tpu.memory_space<vmem>>
      tpu.enqueue_dma source(%dma_start3A_137 : memref<8192xi32, #tpu.memory_space<vmem>>) target(%dma_start3A_135 : memref<8192xi32, #tpu.memory_space<hbm>>) target_semaphore(%arg5 : memref<!tpu.dma_semaphore, #tpu.memory_space<semaphore_mem>>)
      %scan3A_138 = arith.constant 0 : i32
      scf.yield %scan3A_138 : i32
    }
    %scan3A_43 = arith.constant 8 : i32
    %scan3A_44 = arith.constant 0 : i32
    %scan3A_45 = arith.constant 192 : i32
    %scan3A_46 = arith.constant 64 : i32
    %scan3A_47 = arith.addi %scan3A_45, %scan3A_46 : i32
    %scan3A_48 = arith.constant 1 : i32
    %scan3A_49 = scf.for %scan3A_121 = %scan3A_45 to %scan3A_47 step %scan3A_48 iter_args(%scan3A_122 = %scan3A_44) -> (i32)  : i32 {
      %shift_right_arithmetic3A = arith.constant 3 : i32
      %shift_right_arithmetic3A_123 = arith.shrsi %scan3A_121, %shift_right_arithmetic3A : i32
      %add3A_124 = arith.addi %mul3A_2, %shift_right_arithmetic3A_123 : i32
      %broadcast_in_dim3A = vector.broadcast %add3A_124 : i32 to vector<16xi32>
      %mul3A_125 = arith.constant 8 : i32
      %mul3A_126 = arith.muli %scan3A_121, %mul3A_125 : i32
      %add3A_127 = arith.constant 0 : i32
      %add3A_128 = arith.addi %mul3A_126, %add3A_127 : i32
      %mul3A_129 = arith.constant 16 : i32
      %mul3A_130 = arith.muli %add3A_128, %mul3A_129 : i32
      %swap3A = arith.index_cast %mul3A_130 : i32 to index
      %swap3A_131 = tpu.vector_load %arg3[%swap3A] {strides = array<i32>} : memref<32768xi32, #tpu.memory_space<vmem>>, vector<16xi32>,
      %swap3A_132 = vector.shape_cast %swap3A_131 : vector<16xi32> to vector<16xi32>
      %swap3A_133 = vector.shape_cast %broadcast_in_dim3A : vector<16xi32> to vector<16xi32>
      tpu.vector_store %arg3[%swap3A], %swap3A_133 {strides = array<i32>} : memref<32768xi32, #tpu.memory_space<vmem>>, vector<16xi32>,
      %mul3A_134 = arith.constant 8 : i32
      %mul3A_135 = arith.muli %scan3A_121, %mul3A_134 : i32
      %add3A_136 = arith.constant 1 : i32
      %add3A_137 = arith.addi %mul3A_135, %add3A_136 : i32
      %mul3A_138 = arith.constant 16 : i32
      %mul3A_139 = arith.muli %add3A_137, %mul3A_138 : i32
      %swap3A_140 = arith.index_cast %mul3A_139 : i32 to index
      %swap3A_141 = tpu.vector_load %arg3[%swap3A_140] {strides = array<i32>} : memref<32768xi32, #tpu.memory_space<vmem>>, vector<16xi32>,
      %swap3A_142 = vector.shape_cast %swap3A_141 : vector<16xi32> to vector<16xi32>
      %swap3A_143 = vector.shape_cast %broadcast_in_dim3A : vector<16xi32> to vector<16xi32>
      tpu.vector_store %arg3[%swap3A_140], %swap3A_143 {strides = array<i32>} : memref<32768xi32, #tpu.memory_space<vmem>>, vector<16xi32>,
      %mul3A_144 = arith.constant 8 : i32
      %mul3A_145 = arith.muli %scan3A_121, %mul3A_144 : i32
      %add3A_146 = arith.constant 2 : i32
      %add3A_147 = arith.addi %mul3A_145, %add3A_146 : i32
      %mul3A_148 = arith.constant 16 : i32
      %mul3A_149 = arith.muli %add3A_147, %mul3A_148 : i32
      %swap3A_150 = arith.index_cast %mul3A_149 : i32 to index
      %swap3A_151 = tpu.vector_load %arg3[%swap3A_150] {strides = array<i32>} : memref<32768xi32, #tpu.memory_space<vmem>>, vector<16xi32>,
      %swap3A_152 = vector.shape_cast %swap3A_151 : vector<16xi32> to vector<16xi32>
      %swap3A_153 = vector.shape_cast %broadcast_in_dim3A : vector<16xi32> to vector<16xi32>
      tpu.vector_store %arg3[%swap3A_150], %swap3A_153 {strides = array<i32>} : memref<32768xi32, #tpu.memory_space<vmem>>, vector<16xi32>,
      %mul3A_154 = arith.constant 8 : i32
      %mul3A_155 = arith.muli %scan3A_121, %mul3A_154 : i32
      %add3A_156 = arith.constant 3 : i32
      %add3A_157 = arith.addi %mul3A_155, %add3A_156 : i32
      %mul3A_158 = arith.constant 16 : i32
      %mul3A_159 = arith.muli %add3A_157, %mul3A_158 : i32
      %swap3A_160 = arith.index_cast %mul3A_159 : i32 to index
      %swap3A_161 = tpu.vector_load %arg3[%swap3A_160] {strides = array<i32>} : memref<32768xi32, #tpu.memory_space<vmem>>, vector<16xi32>,
      %swap3A_162 = vector.shape_cast %swap3A_161 : vector<16xi32> to vector<16xi32>
      %swap3A_163 = vector.shape_cast %broadcast_in_dim3A : vector<16xi32> to vector<16xi32>
      tpu.vector_store %arg3[%swap3A_160], %swap3A_163 {strides = array<i32>} : memref<32768xi32, #tpu.memory_space<vmem>>, vector<16xi32>,
      %mul3A_164 = arith.constant 8 : i32
      %mul3A_165 = arith.muli %scan3A_121, %mul3A_164 : i32
      %add3A_166 = arith.constant 4 : i32
      %add3A_167 = arith.addi %mul3A_165, %add3A_166 : i32
      %mul3A_168 = arith.constant 16 : i32
      %mul3A_169 = arith.muli %add3A_167, %mul3A_168 : i32
      %swap3A_170 = arith.index_cast %mul3A_169 : i32 to index
      %swap3A_171 = tpu.vector_load %arg3[%swap3A_170] {strides = array<i32>} : memref<32768xi32, #tpu.memory_space<vmem>>, vector<16xi32>,
      %swap3A_172 = vector.shape_cast %swap3A_171 : vector<16xi32> to vector<16xi32>
      %swap3A_173 = vector.shape_cast %broadcast_in_dim3A : vector<16xi32> to vector<16xi32>
      tpu.vector_store %arg3[%swap3A_170], %swap3A_173 {strides = array<i32>} : memref<32768xi32, #tpu.memory_space<vmem>>, vector<16xi32>,
      %mul3A_174 = arith.constant 8 : i32
      %mul3A_175 = arith.muli %scan3A_121, %mul3A_174 : i32
      %add3A_176 = arith.constant 5 : i32
      %add3A_177 = arith.addi %mul3A_175, %add3A_176 : i32
      %mul3A_178 = arith.constant 16 : i32
      %mul3A_179 = arith.muli %add3A_177, %mul3A_178 : i32
      %swap3A_180 = arith.index_cast %mul3A_179 : i32 to index
      %swap3A_181 = tpu.vector_load %arg3[%swap3A_180] {strides = array<i32>} : memref<32768xi32, #tpu.memory_space<vmem>>, vector<16xi32>,
      %swap3A_182 = vector.shape_cast %swap3A_181 : vector<16xi32> to vector<16xi32>
      %swap3A_183 = vector.shape_cast %broadcast_in_dim3A : vector<16xi32> to vector<16xi32>
      tpu.vector_store %arg3[%swap3A_180], %swap3A_183 {strides = array<i32>} : memref<32768xi32, #tpu.memory_space<vmem>>, vector<16xi32>,
      %mul3A_184 = arith.constant 8 : i32
      %mul3A_185 = arith.muli %scan3A_121, %mul3A_184 : i32
      %add3A_186 = arith.constant 6 : i32
      %add3A_187 = arith.addi %mul3A_185, %add3A_186 : i32
      %mul3A_188 = arith.constant 16 : i32
      %mul3A_189 = arith.muli %add3A_187, %mul3A_188 : i32
      %swap3A_190 = arith.index_cast %mul3A_189 : i32 to index
      %swap3A_191 = tpu.vector_load %arg3[%swap3A_190] {strides = array<i32>} : memref<32768xi32, #tpu.memory_space<vmem>>, vector<16xi32>,
      %swap3A_192 = vector.shape_cast %swap3A_191 : vector<16xi32> to vector<16xi32>
      %swap3A_193 = vector.shape_cast %broadcast_in_dim3A : vector<16xi32> to vector<16xi32>
      tpu.vector_store %arg3[%swap3A_190], %swap3A_193 {strides = array<i32>} : memref<32768xi32, #tpu.memory_space<vmem>>, vector<16xi32>,
      %mul3A_194 = arith.constant 8 : i32
      %mul3A_195 = arith.muli %scan3A_121, %mul3A_194 : i32
      %add3A_196 = arith.constant 7 : i32
      %add3A_197 = arith.addi %mul3A_195, %add3A_196 : i32
      %mul3A_198 = arith.constant 16 : i32
      %mul3A_199 = arith.muli %add3A_197, %mul3A_198 : i32
      %swap3A_200 = arith.index_cast %mul3A_199 : i32 to index
      %swap3A_201 = tpu.vector_load %arg3[%swap3A_200] {strides = array<i32>} : memref<32768xi32, #tpu.memory_space<vmem>>, vector<16xi32>,
      %swap3A_202 = vector.shape_cast %swap3A_201 : vector<16xi32> to vector<16xi32>
      %swap3A_203 = vector.shape_cast %broadcast_in_dim3A : vector<16xi32> to vector<16xi32>
      tpu.vector_store %arg3[%swap3A_200], %swap3A_203 {strides = array<i32>} : memref<32768xi32, #tpu.memory_space<vmem>>, vector<16xi32>,
      %scan3A_204 = arith.constant 0 : i32
      scf.yield %scan3A_204 : i32
    }
    %scan3A_50 = arith.constant 64 : i32
    %scan3A_51 = arith.constant 0 : i32
    %scan3A_52 = arith.constant 0 : i32
    %scan3A_53 = arith.constant 8 : i32
    %scan3A_54 = arith.addi %scan3A_52, %scan3A_53 : i32
    %scan3A_55 = arith.constant 1 : i32
    %scan3A_56 = scf.for %scan3A_121 = %scan3A_52 to %scan3A_54 step %scan3A_55 iter_args(%scan3A_122 = %scan3A_51) -> (i32)  : i32 {
      %mul3A_123 = arith.constant 1048576 : i32
      %mul3A_124 = arith.muli %scan3A_121, %mul3A_123 : i32
      %mul3A_125 = arith.constant 32768 : i32
      %mul3A_126 = arith.muli %add3A, %mul3A_125 : i32
      %add3A_127 = arith.addi %mul3A_124, %mul3A_126 : i32
      %add3A_128 = arith.constant 24576 : i32
      %add3A_129 = arith.addi %add3A_127, %add3A_128 : i32
      %dma_start3A = arith.constant 0 : i32
      %dma_start3A_130 = arith.constant 24576 : i32
      %dma_start3A_131 = tpu.memref_slice %arg3[%dma_start3A_130] : memref<32768xi32, #tpu.memory_space<vmem>> -> memref<8192xi32, #tpu.memory_space<vmem>>
      %dma_start3A_132 = tpu.memref_slice %arg2[%dma_start3A, %add3A_129] : memref<2x8388608xi32, #tpu.memory_space<hbm>> -> memref<1x8192xi32, #tpu.memory_space<hbm>>
      %dma_start3A_133 = tpu.memref_squeeze %dma_start3A_132 : memref<1x8192xi32, #tpu.memory_space<hbm>> -> memref<8192xi32, #tpu.memory_space<hbm>>
      %dma_start3A_134 = tpu.memref_slice %arg2[%dma_start3A, %add3A_129] : memref<2x8388608xi32, #tpu.memory_space<hbm>> -> memref<1x8192xi32, #tpu.memory_space<hbm>>
      %dma_start3A_135 = tpu.memref_squeeze %dma_start3A_134 : memref<1x8192xi32, #tpu.memory_space<hbm>> -> memref<8192xi32, #tpu.memory_space<hbm>>
      %dma_start3A_136 = arith.constant 24576 : i32
      %dma_start3A_137 = tpu.memref_slice %arg3[%dma_start3A_136] : memref<32768xi32, #tpu.memory_space<vmem>> -> memref<8192xi32, #tpu.memory_space<vmem>>
      tpu.enqueue_dma source(%dma_start3A_137 : memref<8192xi32, #tpu.memory_space<vmem>>) target(%dma_start3A_135 : memref<8192xi32, #tpu.memory_space<hbm>>) target_semaphore(%arg5 : memref<!tpu.dma_semaphore, #tpu.memory_space<semaphore_mem>>)
      %scan3A_138 = arith.constant 0 : i32
      scf.yield %scan3A_138 : i32
    }
    %scan3A_57 = arith.constant 8 : i32
    %scan3A_58 = arith.constant 0 : i32
    %scan3A_59 = arith.constant 0 : i32
    %scan3A_60 = arith.constant 64 : i32
    %scan3A_61 = arith.addi %scan3A_59, %scan3A_60 : i32
    %scan3A_62 = arith.constant 1 : i32
    %scan3A_63 = scf.for %scan3A_121 = %scan3A_59 to %scan3A_61 step %scan3A_62 iter_args(%scan3A_122 = %scan3A_58) -> (i32)  : i32 {
      %mul3A_123 = arith.constant 8 : i32
      %mul3A_124 = arith.muli %scan3A_121, %mul3A_123 : i32
      %add3A_125 = arith.constant 0 : i32
      %add3A_126 = arith.addi %mul3A_124, %add3A_125 : i32
      %mul3A_127 = arith.constant 16 : i32
      %mul3A_128 = arith.muli %add3A_126, %mul3A_127 : i32
      %and3A = arith.constant 1023 : i32
      %and3A_129 = arith.andi %mul3A_128, %and3A : i32
      %add3A_130 = vector.broadcast %and3A_129 : i32 to vector<16xi32>
      %add3A_131 = arith.addi %iota3A, %add3A_130 : vector<16xi32>
      %mul3A_132 = arith.constant 16 : i32
      %mul3A_133 = arith.muli %add3A_126, %mul3A_132 : i32
      %swap3A = arith.index_cast %mul3A_133 : i32 to index
      %swap3A_134 = tpu.vector_load %arg4[%swap3A] {strides = array<i32>} : memref<32768xi32, #tpu.memory_space<vmem>>, vector<16xi32>,
      %swap3A_135 = vector.shape_cast %swap3A_134 : vector<16xi32> to vector<16xi32>
      %swap3A_136 = vector.shape_cast %add3A_131 : vector<16xi32> to vector<16xi32>
      tpu.vector_store %arg4[%swap3A], %swap3A_136 {strides = array<i32>} : memref<32768xi32, #tpu.memory_space<vmem>>, vector<16xi32>,
      %mul3A_137 = arith.constant 8 : i32
      %mul3A_138 = arith.muli %scan3A_121, %mul3A_137 : i32
      %add3A_139 = arith.constant 1 : i32
      %add3A_140 = arith.addi %mul3A_138, %add3A_139 : i32
      %mul3A_141 = arith.constant 16 : i32
      %mul3A_142 = arith.muli %add3A_140, %mul3A_141 : i32
      %and3A_143 = arith.constant 1023 : i32
      %and3A_144 = arith.andi %mul3A_142, %and3A_143 : i32
      %add3A_145 = vector.broadcast %and3A_144 : i32 to vector<16xi32>
      %add3A_146 = arith.addi %iota3A, %add3A_145 : vector<16xi32>
      %mul3A_147 = arith.constant 16 : i32
      %mul3A_148 = arith.muli %add3A_140, %mul3A_147 : i32
      %swap3A_149 = arith.index_cast %mul3A_148 : i32 to index
      %swap3A_150 = tpu.vector_load %arg4[%swap3A_149] {strides = array<i32>} : memref<32768xi32, #tpu.memory_space<vmem>>, vector<16xi32>,
      %swap3A_151 = vector.shape_cast %swap3A_150 : vector<16xi32> to vector<16xi32>
      %swap3A_152 = vector.shape_cast %add3A_146 : vector<16xi32> to vector<16xi32>
      tpu.vector_store %arg4[%swap3A_149], %swap3A_152 {strides = array<i32>} : memref<32768xi32, #tpu.memory_space<vmem>>, vector<16xi32>,
      %mul3A_153 = arith.constant 8 : i32
      %mul3A_154 = arith.muli %scan3A_121, %mul3A_153 : i32
      %add3A_155 = arith.constant 2 : i32
      %add3A_156 = arith.addi %mul3A_154, %add3A_155 : i32
      %mul3A_157 = arith.constant 16 : i32
      %mul3A_158 = arith.muli %add3A_156, %mul3A_157 : i32
      %and3A_159 = arith.constant 1023 : i32
      %and3A_160 = arith.andi %mul3A_158, %and3A_159 : i32
      %add3A_161 = vector.broadcast %and3A_160 : i32 to vector<16xi32>
      %add3A_162 = arith.addi %iota3A, %add3A_161 : vector<16xi32>
      %mul3A_163 = arith.constant 16 : i32
      %mul3A_164 = arith.muli %add3A_156, %mul3A_163 : i32
      %swap3A_165 = arith.index_cast %mul3A_164 : i32 to index
      %swap3A_166 = tpu.vector_load %arg4[%swap3A_165] {strides = array<i32>} : memref<32768xi32, #tpu.memory_space<vmem>>, vector<16xi32>,
      %swap3A_167 = vector.shape_cast %swap3A_166 : vector<16xi32> to vector<16xi32>
      %swap3A_168 = vector.shape_cast %add3A_162 : vector<16xi32> to vector<16xi32>
      tpu.vector_store %arg4[%swap3A_165], %swap3A_168 {strides = array<i32>} : memref<32768xi32, #tpu.memory_space<vmem>>, vector<16xi32>,
      %mul3A_169 = arith.constant 8 : i32
      %mul3A_170 = arith.muli %scan3A_121, %mul3A_169 : i32
      %add3A_171 = arith.constant 3 : i32
      %add3A_172 = arith.addi %mul3A_170, %add3A_171 : i32
      %mul3A_173 = arith.constant 16 : i32
      %mul3A_174 = arith.muli %add3A_172, %mul3A_173 : i32
      %and3A_175 = arith.constant 1023 : i32
      %and3A_176 = arith.andi %mul3A_174, %and3A_175 : i32
      %add3A_177 = vector.broadcast %and3A_176 : i32 to vector<16xi32>
      %add3A_178 = arith.addi %iota3A, %add3A_177 : vector<16xi32>
      %mul3A_179 = arith.constant 16 : i32
      %mul3A_180 = arith.muli %add3A_172, %mul3A_179 : i32
      %swap3A_181 = arith.index_cast %mul3A_180 : i32 to index
      %swap3A_182 = tpu.vector_load %arg4[%swap3A_181] {strides = array<i32>} : memref<32768xi32, #tpu.memory_space<vmem>>, vector<16xi32>,
      %swap3A_183 = vector.shape_cast %swap3A_182 : vector<16xi32> to vector<16xi32>
      %swap3A_184 = vector.shape_cast %add3A_178 : vector<16xi32> to vector<16xi32>
      tpu.vector_store %arg4[%swap3A_181], %swap3A_184 {strides = array<i32>} : memref<32768xi32, #tpu.memory_space<vmem>>, vector<16xi32>,
      %mul3A_185 = arith.constant 8 : i32
      %mul3A_186 = arith.muli %scan3A_121, %mul3A_185 : i32
      %add3A_187 = arith.constant 4 : i32
      %add3A_188 = arith.addi %mul3A_186, %add3A_187 : i32
      %mul3A_189 = arith.constant 16 : i32
      %mul3A_190 = arith.muli %add3A_188, %mul3A_189 : i32
      %and3A_191 = arith.constant 1023 : i32
      %and3A_192 = arith.andi %mul3A_190, %and3A_191 : i32
      %add3A_193 = vector.broadcast %and3A_192 : i32 to vector<16xi32>
      %add3A_194 = arith.addi %iota3A, %add3A_193 : vector<16xi32>
      %mul3A_195 = arith.constant 16 : i32
      %mul3A_196 = arith.muli %add3A_188, %mul3A_195 : i32
      %swap3A_197 = arith.index_cast %mul3A_196 : i32 to index
      %swap3A_198 = tpu.vector_load %arg4[%swap3A_197] {strides = array<i32>} : memref<32768xi32, #tpu.memory_space<vmem>>, vector<16xi32>,
      %swap3A_199 = vector.shape_cast %swap3A_198 : vector<16xi32> to vector<16xi32>
      %swap3A_200 = vector.shape_cast %add3A_194 : vector<16xi32> to vector<16xi32>
      tpu.vector_store %arg4[%swap3A_197], %swap3A_200 {strides = array<i32>} : memref<32768xi32, #tpu.memory_space<vmem>>, vector<16xi32>,
      %mul3A_201 = arith.constant 8 : i32
      %mul3A_202 = arith.muli %scan3A_121, %mul3A_201 : i32
      %add3A_203 = arith.constant 5 : i32
      %add3A_204 = arith.addi %mul3A_202, %add3A_203 : i32
      %mul3A_205 = arith.constant 16 : i32
      %mul3A_206 = arith.muli %add3A_204, %mul3A_205 : i32
      %and3A_207 = arith.constant 1023 : i32
      %and3A_208 = arith.andi %mul3A_206, %and3A_207 : i32
      %add3A_209 = vector.broadcast %and3A_208 : i32 to vector<16xi32>
      %add3A_210 = arith.addi %iota3A, %add3A_209 : vector<16xi32>
      %mul3A_211 = arith.constant 16 : i32
      %mul3A_212 = arith.muli %add3A_204, %mul3A_211 : i32
      %swap3A_213 = arith.index_cast %mul3A_212 : i32 to index
      %swap3A_214 = tpu.vector_load %arg4[%swap3A_213] {strides = array<i32>} : memref<32768xi32, #tpu.memory_space<vmem>>, vector<16xi32>,
      %swap3A_215 = vector.shape_cast %swap3A_214 : vector<16xi32> to vector<16xi32>
      %swap3A_216 = vector.shape_cast %add3A_210 : vector<16xi32> to vector<16xi32>
      tpu.vector_store %arg4[%swap3A_213], %swap3A_216 {strides = array<i32>} : memref<32768xi32, #tpu.memory_space<vmem>>, vector<16xi32>,
      %mul3A_217 = arith.constant 8 : i32
      %mul3A_218 = arith.muli %scan3A_121, %mul3A_217 : i32
      %add3A_219 = arith.constant 6 : i32
      %add3A_220 = arith.addi %mul3A_218, %add3A_219 : i32
      %mul3A_221 = arith.constant 16 : i32
      %mul3A_222 = arith.muli %add3A_220, %mul3A_221 : i32
      %and3A_223 = arith.constant 1023 : i32
      %and3A_224 = arith.andi %mul3A_222, %and3A_223 : i32
      %add3A_225 = vector.broadcast %and3A_224 : i32 to vector<16xi32>
      %add3A_226 = arith.addi %iota3A, %add3A_225 : vector<16xi32>
      %mul3A_227 = arith.constant 16 : i32
      %mul3A_228 = arith.muli %add3A_220, %mul3A_227 : i32
      %swap3A_229 = arith.index_cast %mul3A_228 : i32 to index
      %swap3A_230 = tpu.vector_load %arg4[%swap3A_229] {strides = array<i32>} : memref<32768xi32, #tpu.memory_space<vmem>>, vector<16xi32>,
      %swap3A_231 = vector.shape_cast %swap3A_230 : vector<16xi32> to vector<16xi32>
      %swap3A_232 = vector.shape_cast %add3A_226 : vector<16xi32> to vector<16xi32>
      tpu.vector_store %arg4[%swap3A_229], %swap3A_232 {strides = array<i32>} : memref<32768xi32, #tpu.memory_space<vmem>>, vector<16xi32>,
      %mul3A_233 = arith.constant 8 : i32
      %mul3A_234 = arith.muli %scan3A_121, %mul3A_233 : i32
      %add3A_235 = arith.constant 7 : i32
      %add3A_236 = arith.addi %mul3A_234, %add3A_235 : i32
      %mul3A_237 = arith.constant 16 : i32
      %mul3A_238 = arith.muli %add3A_236, %mul3A_237 : i32
      %and3A_239 = arith.constant 1023 : i32
      %and3A_240 = arith.andi %mul3A_238, %and3A_239 : i32
      %add3A_241 = vector.broadcast %and3A_240 : i32 to vector<16xi32>
      %add3A_242 = arith.addi %iota3A, %add3A_241 : vector<16xi32>
      %mul3A_243 = arith.constant 16 : i32
      %mul3A_244 = arith.muli %add3A_236, %mul3A_243 : i32
      %swap3A_245 = arith.index_cast %mul3A_244 : i32 to index
      %swap3A_246 = tpu.vector_load %arg4[%swap3A_245] {strides = array<i32>} : memref<32768xi32, #tpu.memory_space<vmem>>, vector<16xi32>,
      %swap3A_247 = vector.shape_cast %swap3A_246 : vector<16xi32> to vector<16xi32>
      %swap3A_248 = vector.shape_cast %add3A_242 : vector<16xi32> to vector<16xi32>
      tpu.vector_store %arg4[%swap3A_245], %swap3A_248 {strides = array<i32>} : memref<32768xi32, #tpu.memory_space<vmem>>, vector<16xi32>,
      %scan3A_249 = arith.constant 0 : i32
      scf.yield %scan3A_249 : i32
    }
    %scan3A_64 = arith.constant 64 : i32
    %scan3A_65 = arith.constant 0 : i32
    %scan3A_66 = arith.constant 0 : i32
    %scan3A_67 = arith.constant 8 : i32
    %scan3A_68 = arith.addi %scan3A_66, %scan3A_67 : i32
    %scan3A_69 = arith.constant 1 : i32
    %scan3A_70 = scf.for %scan3A_121 = %scan3A_66 to %scan3A_68 step %scan3A_69 iter_args(%scan3A_122 = %scan3A_65) -> (i32)  : i32 {
      %mul3A_123 = arith.constant 1048576 : i32
      %mul3A_124 = arith.muli %scan3A_121, %mul3A_123 : i32
      %mul3A_125 = arith.constant 32768 : i32
      %mul3A_126 = arith.muli %add3A, %mul3A_125 : i32
      %add3A_127 = arith.addi %mul3A_124, %mul3A_126 : i32
      %add3A_128 = arith.constant 0 : i32
      %add3A_129 = arith.addi %add3A_127, %add3A_128 : i32
      %dma_start3A = arith.constant 1 : i32
      %dma_start3A_130 = arith.constant 0 : i32
      %dma_start3A_131 = tpu.memref_slice %arg4[%dma_start3A_130] : memref<32768xi32, #tpu.memory_space<vmem>> -> memref<8192xi32, #tpu.memory_space<vmem>>
      %dma_start3A_132 = tpu.memref_slice %arg2[%dma_start3A, %add3A_129] : memref<2x8388608xi32, #tpu.memory_space<hbm>> -> memref<1x8192xi32, #tpu.memory_space<hbm>>
      %dma_start3A_133 = tpu.memref_squeeze %dma_start3A_132 : memref<1x8192xi32, #tpu.memory_space<hbm>> -> memref<8192xi32, #tpu.memory_space<hbm>>
      %dma_start3A_134 = tpu.memref_slice %arg2[%dma_start3A, %add3A_129] : memref<2x8388608xi32, #tpu.memory_space<hbm>> -> memref<1x8192xi32, #tpu.memory_space<hbm>>
      %dma_start3A_135 = tpu.memref_squeeze %dma_start3A_134 : memref<1x8192xi32, #tpu.memory_space<hbm>> -> memref<8192xi32, #tpu.memory_space<hbm>>
      %dma_start3A_136 = arith.constant 0 : i32
      %dma_start3A_137 = tpu.memref_slice %arg4[%dma_start3A_136] : memref<32768xi32, #tpu.memory_space<vmem>> -> memref<8192xi32, #tpu.memory_space<vmem>>
      tpu.enqueue_dma source(%dma_start3A_137 : memref<8192xi32, #tpu.memory_space<vmem>>) target(%dma_start3A_135 : memref<8192xi32, #tpu.memory_space<hbm>>) target_semaphore(%arg5 : memref<!tpu.dma_semaphore, #tpu.memory_space<semaphore_mem>>)
      %scan3A_138 = arith.constant 0 : i32
      scf.yield %scan3A_138 : i32
    }
    %scan3A_71 = arith.constant 8 : i32
    %scan3A_72 = arith.constant 0 : i32
    %scan3A_73 = arith.constant 64 : i32
    %scan3A_74 = arith.constant 64 : i32
    %scan3A_75 = arith.addi %scan3A_73, %scan3A_74 : i32
    %scan3A_76 = arith.constant 1 : i32
    %scan3A_77 = scf.for %scan3A_121 = %scan3A_73 to %scan3A_75 step %scan3A_76 iter_args(%scan3A_122 = %scan3A_72) -> (i32)  : i32 {
      %mul3A_123 = arith.constant 8 : i32
      %mul3A_124 = arith.muli %scan3A_121, %mul3A_123 : i32
      %add3A_125 = arith.constant 0 : i32
      %add3A_126 = arith.addi %mul3A_124, %add3A_125 : i32
      %mul3A_127 = arith.constant 16 : i32
      %mul3A_128 = arith.muli %add3A_126, %mul3A_127 : i32
      %and3A = arith.constant 1023 : i32
      %and3A_129 = arith.andi %mul3A_128, %and3A : i32
      %add3A_130 = vector.broadcast %and3A_129 : i32 to vector<16xi32>
      %add3A_131 = arith.addi %iota3A, %add3A_130 : vector<16xi32>
      %mul3A_132 = arith.constant 16 : i32
      %mul3A_133 = arith.muli %add3A_126, %mul3A_132 : i32
      %swap3A = arith.index_cast %mul3A_133 : i32 to index
      %swap3A_134 = tpu.vector_load %arg4[%swap3A] {strides = array<i32>} : memref<32768xi32, #tpu.memory_space<vmem>>, vector<16xi32>,
      %swap3A_135 = vector.shape_cast %swap3A_134 : vector<16xi32> to vector<16xi32>
      %swap3A_136 = vector.shape_cast %add3A_131 : vector<16xi32> to vector<16xi32>
      tpu.vector_store %arg4[%swap3A], %swap3A_136 {strides = array<i32>} : memref<32768xi32, #tpu.memory_space<vmem>>, vector<16xi32>,
      %mul3A_137 = arith.constant 8 : i32
      %mul3A_138 = arith.muli %scan3A_121, %mul3A_137 : i32
      %add3A_139 = arith.constant 1 : i32
      %add3A_140 = arith.addi %mul3A_138, %add3A_139 : i32
      %mul3A_141 = arith.constant 16 : i32
      %mul3A_142 = arith.muli %add3A_140, %mul3A_141 : i32
      %and3A_143 = arith.constant 1023 : i32
      %and3A_144 = arith.andi %mul3A_142, %and3A_143 : i32
      %add3A_145 = vector.broadcast %and3A_144 : i32 to vector<16xi32>
      %add3A_146 = arith.addi %iota3A, %add3A_145 : vector<16xi32>
      %mul3A_147 = arith.constant 16 : i32
      %mul3A_148 = arith.muli %add3A_140, %mul3A_147 : i32
      %swap3A_149 = arith.index_cast %mul3A_148 : i32 to index
      %swap3A_150 = tpu.vector_load %arg4[%swap3A_149] {strides = array<i32>} : memref<32768xi32, #tpu.memory_space<vmem>>, vector<16xi32>,
      %swap3A_151 = vector.shape_cast %swap3A_150 : vector<16xi32> to vector<16xi32>
      %swap3A_152 = vector.shape_cast %add3A_146 : vector<16xi32> to vector<16xi32>
      tpu.vector_store %arg4[%swap3A_149], %swap3A_152 {strides = array<i32>} : memref<32768xi32, #tpu.memory_space<vmem>>, vector<16xi32>,
      %mul3A_153 = arith.constant 8 : i32
      %mul3A_154 = arith.muli %scan3A_121, %mul3A_153 : i32
      %add3A_155 = arith.constant 2 : i32
      %add3A_156 = arith.addi %mul3A_154, %add3A_155 : i32
      %mul3A_157 = arith.constant 16 : i32
      %mul3A_158 = arith.muli %add3A_156, %mul3A_157 : i32
      %and3A_159 = arith.constant 1023 : i32
      %and3A_160 = arith.andi %mul3A_158, %and3A_159 : i32
      %add3A_161 = vector.broadcast %and3A_160 : i32 to vector<16xi32>
      %add3A_162 = arith.addi %iota3A, %add3A_161 : vector<16xi32>
      %mul3A_163 = arith.constant 16 : i32
      %mul3A_164 = arith.muli %add3A_156, %mul3A_163 : i32
      %swap3A_165 = arith.index_cast %mul3A_164 : i32 to index
      %swap3A_166 = tpu.vector_load %arg4[%swap3A_165] {strides = array<i32>} : memref<32768xi32, #tpu.memory_space<vmem>>, vector<16xi32>,
      %swap3A_167 = vector.shape_cast %swap3A_166 : vector<16xi32> to vector<16xi32>
      %swap3A_168 = vector.shape_cast %add3A_162 : vector<16xi32> to vector<16xi32>
      tpu.vector_store %arg4[%swap3A_165], %swap3A_168 {strides = array<i32>} : memref<32768xi32, #tpu.memory_space<vmem>>, vector<16xi32>,
      %mul3A_169 = arith.constant 8 : i32
      %mul3A_170 = arith.muli %scan3A_121, %mul3A_169 : i32
      %add3A_171 = arith.constant 3 : i32
      %add3A_172 = arith.addi %mul3A_170, %add3A_171 : i32
      %mul3A_173 = arith.constant 16 : i32
      %mul3A_174 = arith.muli %add3A_172, %mul3A_173 : i32
      %and3A_175 = arith.constant 1023 : i32
      %and3A_176 = arith.andi %mul3A_174, %and3A_175 : i32
      %add3A_177 = vector.broadcast %and3A_176 : i32 to vector<16xi32>
      %add3A_178 = arith.addi %iota3A, %add3A_177 : vector<16xi32>
      %mul3A_179 = arith.constant 16 : i32
      %mul3A_180 = arith.muli %add3A_172, %mul3A_179 : i32
      %swap3A_181 = arith.index_cast %mul3A_180 : i32 to index
      %swap3A_182 = tpu.vector_load %arg4[%swap3A_181] {strides = array<i32>} : memref<32768xi32, #tpu.memory_space<vmem>>, vector<16xi32>,
      %swap3A_183 = vector.shape_cast %swap3A_182 : vector<16xi32> to vector<16xi32>
      %swap3A_184 = vector.shape_cast %add3A_178 : vector<16xi32> to vector<16xi32>
      tpu.vector_store %arg4[%swap3A_181], %swap3A_184 {strides = array<i32>} : memref<32768xi32, #tpu.memory_space<vmem>>, vector<16xi32>,
      %mul3A_185 = arith.constant 8 : i32
      %mul3A_186 = arith.muli %scan3A_121, %mul3A_185 : i32
      %add3A_187 = arith.constant 4 : i32
      %add3A_188 = arith.addi %mul3A_186, %add3A_187 : i32
      %mul3A_189 = arith.constant 16 : i32
      %mul3A_190 = arith.muli %add3A_188, %mul3A_189 : i32
      %and3A_191 = arith.constant 1023 : i32
      %and3A_192 = arith.andi %mul3A_190, %and3A_191 : i32
      %add3A_193 = vector.broadcast %and3A_192 : i32 to vector<16xi32>
      %add3A_194 = arith.addi %iota3A, %add3A_193 : vector<16xi32>
      %mul3A_195 = arith.constant 16 : i32
      %mul3A_196 = arith.muli %add3A_188, %mul3A_195 : i32
      %swap3A_197 = arith.index_cast %mul3A_196 : i32 to index
      %swap3A_198 = tpu.vector_load %arg4[%swap3A_197] {strides = array<i32>} : memref<32768xi32, #tpu.memory_space<vmem>>, vector<16xi32>,
      %swap3A_199 = vector.shape_cast %swap3A_198 : vector<16xi32> to vector<16xi32>
      %swap3A_200 = vector.shape_cast %add3A_194 : vector<16xi32> to vector<16xi32>
      tpu.vector_store %arg4[%swap3A_197], %swap3A_200 {strides = array<i32>} : memref<32768xi32, #tpu.memory_space<vmem>>, vector<16xi32>,
      %mul3A_201 = arith.constant 8 : i32
      %mul3A_202 = arith.muli %scan3A_121, %mul3A_201 : i32
      %add3A_203 = arith.constant 5 : i32
      %add3A_204 = arith.addi %mul3A_202, %add3A_203 : i32
      %mul3A_205 = arith.constant 16 : i32
      %mul3A_206 = arith.muli %add3A_204, %mul3A_205 : i32
      %and3A_207 = arith.constant 1023 : i32
      %and3A_208 = arith.andi %mul3A_206, %and3A_207 : i32
      %add3A_209 = vector.broadcast %and3A_208 : i32 to vector<16xi32>
      %add3A_210 = arith.addi %iota3A, %add3A_209 : vector<16xi32>
      %mul3A_211 = arith.constant 16 : i32
      %mul3A_212 = arith.muli %add3A_204, %mul3A_211 : i32
      %swap3A_213 = arith.index_cast %mul3A_212 : i32 to index
      %swap3A_214 = tpu.vector_load %arg4[%swap3A_213] {strides = array<i32>} : memref<32768xi32, #tpu.memory_space<vmem>>, vector<16xi32>,
      %swap3A_215 = vector.shape_cast %swap3A_214 : vector<16xi32> to vector<16xi32>
      %swap3A_216 = vector.shape_cast %add3A_210 : vector<16xi32> to vector<16xi32>
      tpu.vector_store %arg4[%swap3A_213], %swap3A_216 {strides = array<i32>} : memref<32768xi32, #tpu.memory_space<vmem>>, vector<16xi32>,
      %mul3A_217 = arith.constant 8 : i32
      %mul3A_218 = arith.muli %scan3A_121, %mul3A_217 : i32
      %add3A_219 = arith.constant 6 : i32
      %add3A_220 = arith.addi %mul3A_218, %add3A_219 : i32
      %mul3A_221 = arith.constant 16 : i32
      %mul3A_222 = arith.muli %add3A_220, %mul3A_221 : i32
      %and3A_223 = arith.constant 1023 : i32
      %and3A_224 = arith.andi %mul3A_222, %and3A_223 : i32
      %add3A_225 = vector.broadcast %and3A_224 : i32 to vector<16xi32>
      %add3A_226 = arith.addi %iota3A, %add3A_225 : vector<16xi32>
      %mul3A_227 = arith.constant 16 : i32
      %mul3A_228 = arith.muli %add3A_220, %mul3A_227 : i32
      %swap3A_229 = arith.index_cast %mul3A_228 : i32 to index
      %swap3A_230 = tpu.vector_load %arg4[%swap3A_229] {strides = array<i32>} : memref<32768xi32, #tpu.memory_space<vmem>>, vector<16xi32>,
      %swap3A_231 = vector.shape_cast %swap3A_230 : vector<16xi32> to vector<16xi32>
      %swap3A_232 = vector.shape_cast %add3A_226 : vector<16xi32> to vector<16xi32>
      tpu.vector_store %arg4[%swap3A_229], %swap3A_232 {strides = array<i32>} : memref<32768xi32, #tpu.memory_space<vmem>>, vector<16xi32>,
      %mul3A_233 = arith.constant 8 : i32
      %mul3A_234 = arith.muli %scan3A_121, %mul3A_233 : i32
      %add3A_235 = arith.constant 7 : i32
      %add3A_236 = arith.addi %mul3A_234, %add3A_235 : i32
      %mul3A_237 = arith.constant 16 : i32
      %mul3A_238 = arith.muli %add3A_236, %mul3A_237 : i32
      %and3A_239 = arith.constant 1023 : i32
      %and3A_240 = arith.andi %mul3A_238, %and3A_239 : i32
      %add3A_241 = vector.broadcast %and3A_240 : i32 to vector<16xi32>
      %add3A_242 = arith.addi %iota3A, %add3A_241 : vector<16xi32>
      %mul3A_243 = arith.constant 16 : i32
      %mul3A_244 = arith.muli %add3A_236, %mul3A_243 : i32
      %swap3A_245 = arith.index_cast %mul3A_244 : i32 to index
      %swap3A_246 = tpu.vector_load %arg4[%swap3A_245] {strides = array<i32>} : memref<32768xi32, #tpu.memory_space<vmem>>, vector<16xi32>,
      %swap3A_247 = vector.shape_cast %swap3A_246 : vector<16xi32> to vector<16xi32>
      %swap3A_248 = vector.shape_cast %add3A_242 : vector<16xi32> to vector<16xi32>
      tpu.vector_store %arg4[%swap3A_245], %swap3A_248 {strides = array<i32>} : memref<32768xi32, #tpu.memory_space<vmem>>, vector<16xi32>,
      %scan3A_249 = arith.constant 0 : i32
      scf.yield %scan3A_249 : i32
    }
    %scan3A_78 = arith.constant 64 : i32
    %scan3A_79 = arith.constant 0 : i32
    %scan3A_80 = arith.constant 0 : i32
    %scan3A_81 = arith.constant 8 : i32
    %scan3A_82 = arith.addi %scan3A_80, %scan3A_81 : i32
    %scan3A_83 = arith.constant 1 : i32
    %scan3A_84 = scf.for %scan3A_121 = %scan3A_80 to %scan3A_82 step %scan3A_83 iter_args(%scan3A_122 = %scan3A_79) -> (i32)  : i32 {
      %mul3A_123 = arith.constant 1048576 : i32
      %mul3A_124 = arith.muli %scan3A_121, %mul3A_123 : i32
      %mul3A_125 = arith.constant 32768 : i32
      %mul3A_126 = arith.muli %add3A, %mul3A_125 : i32
      %add3A_127 = arith.addi %mul3A_124, %mul3A_126 : i32
      %add3A_128 = arith.constant 8192 : i32
      %add3A_129 = arith.addi %add3A_127, %add3A_128 : i32
      %dma_start3A = arith.constant 1 : i32
      %dma_start3A_130 = arith.constant 8192 : i32
      %dma_start3A_131 = tpu.memref_slice %arg4[%dma_start3A_130] : memref<32768xi32, #tpu.memory_space<vmem>> -> memref<8192xi32, #tpu.memory_space<vmem>>
      %dma_start3A_132 = tpu.memref_slice %arg2[%dma_start3A, %add3A_129] : memref<2x8388608xi32, #tpu.memory_space<hbm>> -> memref<1x8192xi32, #tpu.memory_space<hbm>>
      %dma_start3A_133 = tpu.memref_squeeze %dma_start3A_132 : memref<1x8192xi32, #tpu.memory_space<hbm>> -> memref<8192xi32, #tpu.memory_space<hbm>>
      %dma_start3A_134 = tpu.memref_slice %arg2[%dma_start3A, %add3A_129] : memref<2x8388608xi32, #tpu.memory_space<hbm>> -> memref<1x8192xi32, #tpu.memory_space<hbm>>
      %dma_start3A_135 = tpu.memref_squeeze %dma_start3A_134 : memref<1x8192xi32, #tpu.memory_space<hbm>> -> memref<8192xi32, #tpu.memory_space<hbm>>
      %dma_start3A_136 = arith.constant 8192 : i32
      %dma_start3A_137 = tpu.memref_slice %arg4[%dma_start3A_136] : memref<32768xi32, #tpu.memory_space<vmem>> -> memref<8192xi32, #tpu.memory_space<vmem>>
      tpu.enqueue_dma source(%dma_start3A_137 : memref<8192xi32, #tpu.memory_space<vmem>>) target(%dma_start3A_135 : memref<8192xi32, #tpu.memory_space<hbm>>) target_semaphore(%arg5 : memref<!tpu.dma_semaphore, #tpu.memory_space<semaphore_mem>>)
      %scan3A_138 = arith.constant 0 : i32
      scf.yield %scan3A_138 : i32
    }
    %scan3A_85 = arith.constant 8 : i32
    %scan3A_86 = arith.constant 0 : i32
    %scan3A_87 = arith.constant 128 : i32
    %scan3A_88 = arith.constant 64 : i32
    %scan3A_89 = arith.addi %scan3A_87, %scan3A_88 : i32
    %scan3A_90 = arith.constant 1 : i32
    %scan3A_91 = scf.for %scan3A_121 = %scan3A_87 to %scan3A_89 step %scan3A_90 iter_args(%scan3A_122 = %scan3A_86) -> (i32)  : i32 {
      %mul3A_123 = arith.constant 8 : i32
      %mul3A_124 = arith.muli %scan3A_121, %mul3A_123 : i32
      %add3A_125 = arith.constant 0 : i32
      %add3A_126 = arith.addi %mul3A_124, %add3A_125 : i32
      %mul3A_127 = arith.constant 16 : i32
      %mul3A_128 = arith.muli %add3A_126, %mul3A_127 : i32
      %and3A = arith.constant 1023 : i32
      %and3A_129 = arith.andi %mul3A_128, %and3A : i32
      %add3A_130 = vector.broadcast %and3A_129 : i32 to vector<16xi32>
      %add3A_131 = arith.addi %iota3A, %add3A_130 : vector<16xi32>
      %mul3A_132 = arith.constant 16 : i32
      %mul3A_133 = arith.muli %add3A_126, %mul3A_132 : i32
      %swap3A = arith.index_cast %mul3A_133 : i32 to index
      %swap3A_134 = tpu.vector_load %arg4[%swap3A] {strides = array<i32>} : memref<32768xi32, #tpu.memory_space<vmem>>, vector<16xi32>,
      %swap3A_135 = vector.shape_cast %swap3A_134 : vector<16xi32> to vector<16xi32>
      %swap3A_136 = vector.shape_cast %add3A_131 : vector<16xi32> to vector<16xi32>
      tpu.vector_store %arg4[%swap3A], %swap3A_136 {strides = array<i32>} : memref<32768xi32, #tpu.memory_space<vmem>>, vector<16xi32>,
      %mul3A_137 = arith.constant 8 : i32
      %mul3A_138 = arith.muli %scan3A_121, %mul3A_137 : i32
      %add3A_139 = arith.constant 1 : i32
      %add3A_140 = arith.addi %mul3A_138, %add3A_139 : i32
      %mul3A_141 = arith.constant 16 : i32
      %mul3A_142 = arith.muli %add3A_140, %mul3A_141 : i32
      %and3A_143 = arith.constant 1023 : i32
      %and3A_144 = arith.andi %mul3A_142, %and3A_143 : i32
      %add3A_145 = vector.broadcast %and3A_144 : i32 to vector<16xi32>
      %add3A_146 = arith.addi %iota3A, %add3A_145 : vector<16xi32>
      %mul3A_147 = arith.constant 16 : i32
      %mul3A_148 = arith.muli %add3A_140, %mul3A_147 : i32
      %swap3A_149 = arith.index_cast %mul3A_148 : i32 to index
      %swap3A_150 = tpu.vector_load %arg4[%swap3A_149] {strides = array<i32>} : memref<32768xi32, #tpu.memory_space<vmem>>, vector<16xi32>,
      %swap3A_151 = vector.shape_cast %swap3A_150 : vector<16xi32> to vector<16xi32>
      %swap3A_152 = vector.shape_cast %add3A_146 : vector<16xi32> to vector<16xi32>
      tpu.vector_store %arg4[%swap3A_149], %swap3A_152 {strides = array<i32>} : memref<32768xi32, #tpu.memory_space<vmem>>, vector<16xi32>,
      %mul3A_153 = arith.constant 8 : i32
      %mul3A_154 = arith.muli %scan3A_121, %mul3A_153 : i32
      %add3A_155 = arith.constant 2 : i32
      %add3A_156 = arith.addi %mul3A_154, %add3A_155 : i32
      %mul3A_157 = arith.constant 16 : i32
      %mul3A_158 = arith.muli %add3A_156, %mul3A_157 : i32
      %and3A_159 = arith.constant 1023 : i32
      %and3A_160 = arith.andi %mul3A_158, %and3A_159 : i32
      %add3A_161 = vector.broadcast %and3A_160 : i32 to vector<16xi32>
      %add3A_162 = arith.addi %iota3A, %add3A_161 : vector<16xi32>
      %mul3A_163 = arith.constant 16 : i32
      %mul3A_164 = arith.muli %add3A_156, %mul3A_163 : i32
      %swap3A_165 = arith.index_cast %mul3A_164 : i32 to index
      %swap3A_166 = tpu.vector_load %arg4[%swap3A_165] {strides = array<i32>} : memref<32768xi32, #tpu.memory_space<vmem>>, vector<16xi32>,
      %swap3A_167 = vector.shape_cast %swap3A_166 : vector<16xi32> to vector<16xi32>
      %swap3A_168 = vector.shape_cast %add3A_162 : vector<16xi32> to vector<16xi32>
      tpu.vector_store %arg4[%swap3A_165], %swap3A_168 {strides = array<i32>} : memref<32768xi32, #tpu.memory_space<vmem>>, vector<16xi32>,
      %mul3A_169 = arith.constant 8 : i32
      %mul3A_170 = arith.muli %scan3A_121, %mul3A_169 : i32
      %add3A_171 = arith.constant 3 : i32
      %add3A_172 = arith.addi %mul3A_170, %add3A_171 : i32
      %mul3A_173 = arith.constant 16 : i32
      %mul3A_174 = arith.muli %add3A_172, %mul3A_173 : i32
      %and3A_175 = arith.constant 1023 : i32
      %and3A_176 = arith.andi %mul3A_174, %and3A_175 : i32
      %add3A_177 = vector.broadcast %and3A_176 : i32 to vector<16xi32>
      %add3A_178 = arith.addi %iota3A, %add3A_177 : vector<16xi32>
      %mul3A_179 = arith.constant 16 : i32
      %mul3A_180 = arith.muli %add3A_172, %mul3A_179 : i32
      %swap3A_181 = arith.index_cast %mul3A_180 : i32 to index
      %swap3A_182 = tpu.vector_load %arg4[%swap3A_181] {strides = array<i32>} : memref<32768xi32, #tpu.memory_space<vmem>>, vector<16xi32>,
      %swap3A_183 = vector.shape_cast %swap3A_182 : vector<16xi32> to vector<16xi32>
      %swap3A_184 = vector.shape_cast %add3A_178 : vector<16xi32> to vector<16xi32>
      tpu.vector_store %arg4[%swap3A_181], %swap3A_184 {strides = array<i32>} : memref<32768xi32, #tpu.memory_space<vmem>>, vector<16xi32>,
      %mul3A_185 = arith.constant 8 : i32
      %mul3A_186 = arith.muli %scan3A_121, %mul3A_185 : i32
      %add3A_187 = arith.constant 4 : i32
      %add3A_188 = arith.addi %mul3A_186, %add3A_187 : i32
      %mul3A_189 = arith.constant 16 : i32
      %mul3A_190 = arith.muli %add3A_188, %mul3A_189 : i32
      %and3A_191 = arith.constant 1023 : i32
      %and3A_192 = arith.andi %mul3A_190, %and3A_191 : i32
      %add3A_193 = vector.broadcast %and3A_192 : i32 to vector<16xi32>
      %add3A_194 = arith.addi %iota3A, %add3A_193 : vector<16xi32>
      %mul3A_195 = arith.constant 16 : i32
      %mul3A_196 = arith.muli %add3A_188, %mul3A_195 : i32
      %swap3A_197 = arith.index_cast %mul3A_196 : i32 to index
      %swap3A_198 = tpu.vector_load %arg4[%swap3A_197] {strides = array<i32>} : memref<32768xi32, #tpu.memory_space<vmem>>, vector<16xi32>,
      %swap3A_199 = vector.shape_cast %swap3A_198 : vector<16xi32> to vector<16xi32>
      %swap3A_200 = vector.shape_cast %add3A_194 : vector<16xi32> to vector<16xi32>
      tpu.vector_store %arg4[%swap3A_197], %swap3A_200 {strides = array<i32>} : memref<32768xi32, #tpu.memory_space<vmem>>, vector<16xi32>,
      %mul3A_201 = arith.constant 8 : i32
      %mul3A_202 = arith.muli %scan3A_121, %mul3A_201 : i32
      %add3A_203 = arith.constant 5 : i32
      %add3A_204 = arith.addi %mul3A_202, %add3A_203 : i32
      %mul3A_205 = arith.constant 16 : i32
      %mul3A_206 = arith.muli %add3A_204, %mul3A_205 : i32
      %and3A_207 = arith.constant 1023 : i32
      %and3A_208 = arith.andi %mul3A_206, %and3A_207 : i32
      %add3A_209 = vector.broadcast %and3A_208 : i32 to vector<16xi32>
      %add3A_210 = arith.addi %iota3A, %add3A_209 : vector<16xi32>
      %mul3A_211 = arith.constant 16 : i32
      %mul3A_212 = arith.muli %add3A_204, %mul3A_211 : i32
      %swap3A_213 = arith.index_cast %mul3A_212 : i32 to index
      %swap3A_214 = tpu.vector_load %arg4[%swap3A_213] {strides = array<i32>} : memref<32768xi32, #tpu.memory_space<vmem>>, vector<16xi32>,
      %swap3A_215 = vector.shape_cast %swap3A_214 : vector<16xi32> to vector<16xi32>
      %swap3A_216 = vector.shape_cast %add3A_210 : vector<16xi32> to vector<16xi32>
      tpu.vector_store %arg4[%swap3A_213], %swap3A_216 {strides = array<i32>} : memref<32768xi32, #tpu.memory_space<vmem>>, vector<16xi32>,
      %mul3A_217 = arith.constant 8 : i32
      %mul3A_218 = arith.muli %scan3A_121, %mul3A_217 : i32
      %add3A_219 = arith.constant 6 : i32
      %add3A_220 = arith.addi %mul3A_218, %add3A_219 : i32
      %mul3A_221 = arith.constant 16 : i32
      %mul3A_222 = arith.muli %add3A_220, %mul3A_221 : i32
      %and3A_223 = arith.constant 1023 : i32
      %and3A_224 = arith.andi %mul3A_222, %and3A_223 : i32
      %add3A_225 = vector.broadcast %and3A_224 : i32 to vector<16xi32>
      %add3A_226 = arith.addi %iota3A, %add3A_225 : vector<16xi32>
      %mul3A_227 = arith.constant 16 : i32
      %mul3A_228 = arith.muli %add3A_220, %mul3A_227 : i32
      %swap3A_229 = arith.index_cast %mul3A_228 : i32 to index
      %swap3A_230 = tpu.vector_load %arg4[%swap3A_229] {strides = array<i32>} : memref<32768xi32, #tpu.memory_space<vmem>>, vector<16xi32>,
      %swap3A_231 = vector.shape_cast %swap3A_230 : vector<16xi32> to vector<16xi32>
      %swap3A_232 = vector.shape_cast %add3A_226 : vector<16xi32> to vector<16xi32>
      tpu.vector_store %arg4[%swap3A_229], %swap3A_232 {strides = array<i32>} : memref<32768xi32, #tpu.memory_space<vmem>>, vector<16xi32>,
      %mul3A_233 = arith.constant 8 : i32
      %mul3A_234 = arith.muli %scan3A_121, %mul3A_233 : i32
      %add3A_235 = arith.constant 7 : i32
      %add3A_236 = arith.addi %mul3A_234, %add3A_235 : i32
      %mul3A_237 = arith.constant 16 : i32
      %mul3A_238 = arith.muli %add3A_236, %mul3A_237 : i32
      %and3A_239 = arith.constant 1023 : i32
      %and3A_240 = arith.andi %mul3A_238, %and3A_239 : i32
      %add3A_241 = vector.broadcast %and3A_240 : i32 to vector<16xi32>
      %add3A_242 = arith.addi %iota3A, %add3A_241 : vector<16xi32>
      %mul3A_243 = arith.constant 16 : i32
      %mul3A_244 = arith.muli %add3A_236, %mul3A_243 : i32
      %swap3A_245 = arith.index_cast %mul3A_244 : i32 to index
      %swap3A_246 = tpu.vector_load %arg4[%swap3A_245] {strides = array<i32>} : memref<32768xi32, #tpu.memory_space<vmem>>, vector<16xi32>,
      %swap3A_247 = vector.shape_cast %swap3A_246 : vector<16xi32> to vector<16xi32>
      %swap3A_248 = vector.shape_cast %add3A_242 : vector<16xi32> to vector<16xi32>
      tpu.vector_store %arg4[%swap3A_245], %swap3A_248 {strides = array<i32>} : memref<32768xi32, #tpu.memory_space<vmem>>, vector<16xi32>,
      %scan3A_249 = arith.constant 0 : i32
      scf.yield %scan3A_249 : i32
    }
    %scan3A_92 = arith.constant 64 : i32
    %scan3A_93 = arith.constant 0 : i32
    %scan3A_94 = arith.constant 0 : i32
    %scan3A_95 = arith.constant 8 : i32
    %scan3A_96 = arith.addi %scan3A_94, %scan3A_95 : i32
    %scan3A_97 = arith.constant 1 : i32
    %scan3A_98 = scf.for %scan3A_121 = %scan3A_94 to %scan3A_96 step %scan3A_97 iter_args(%scan3A_122 = %scan3A_93) -> (i32)  : i32 {
      %mul3A_123 = arith.constant 1048576 : i32
      %mul3A_124 = arith.muli %scan3A_121, %mul3A_123 : i32
      %mul3A_125 = arith.constant 32768 : i32
      %mul3A_126 = arith.muli %add3A, %mul3A_125 : i32
      %add3A_127 = arith.addi %mul3A_124, %mul3A_126 : i32
      %add3A_128 = arith.constant 16384 : i32
      %add3A_129 = arith.addi %add3A_127, %add3A_128 : i32
      %dma_start3A = arith.constant 1 : i32
      %dma_start3A_130 = arith.constant 16384 : i32
      %dma_start3A_131 = tpu.memref_slice %arg4[%dma_start3A_130] : memref<32768xi32, #tpu.memory_space<vmem>> -> memref<8192xi32, #tpu.memory_space<vmem>>
      %dma_start3A_132 = tpu.memref_slice %arg2[%dma_start3A, %add3A_129] : memref<2x8388608xi32, #tpu.memory_space<hbm>> -> memref<1x8192xi32, #tpu.memory_space<hbm>>
      %dma_start3A_133 = tpu.memref_squeeze %dma_start3A_132 : memref<1x8192xi32, #tpu.memory_space<hbm>> -> memref<8192xi32, #tpu.memory_space<hbm>>
      %dma_start3A_134 = tpu.memref_slice %arg2[%dma_start3A, %add3A_129] : memref<2x8388608xi32, #tpu.memory_space<hbm>> -> memref<1x8192xi32, #tpu.memory_space<hbm>>
      %dma_start3A_135 = tpu.memref_squeeze %dma_start3A_134 : memref<1x8192xi32, #tpu.memory_space<hbm>> -> memref<8192xi32, #tpu.memory_space<hbm>>
      %dma_start3A_136 = arith.constant 16384 : i32
      %dma_start3A_137 = tpu.memref_slice %arg4[%dma_start3A_136] : memref<32768xi32, #tpu.memory_space<vmem>> -> memref<8192xi32, #tpu.memory_space<vmem>>
      tpu.enqueue_dma source(%dma_start3A_137 : memref<8192xi32, #tpu.memory_space<vmem>>) target(%dma_start3A_135 : memref<8192xi32, #tpu.memory_space<hbm>>) target_semaphore(%arg5 : memref<!tpu.dma_semaphore, #tpu.memory_space<semaphore_mem>>)
      %scan3A_138 = arith.constant 0 : i32
      scf.yield %scan3A_138 : i32
    }
    %scan3A_99 = arith.constant 8 : i32
    %scan3A_100 = arith.constant 0 : i32
    %scan3A_101 = arith.constant 192 : i32
    %scan3A_102 = arith.constant 64 : i32
    %scan3A_103 = arith.addi %scan3A_101, %scan3A_102 : i32
    %scan3A_104 = arith.constant 1 : i32
    %scan3A_105 = scf.for %scan3A_121 = %scan3A_101 to %scan3A_103 step %scan3A_104 iter_args(%scan3A_122 = %scan3A_100) -> (i32)  : i32 {
      %mul3A_123 = arith.constant 8 : i32
      %mul3A_124 = arith.muli %scan3A_121, %mul3A_123 : i32
      %add3A_125 = arith.constant 0 : i32
      %add3A_126 = arith.addi %mul3A_124, %add3A_125 : i32
      %mul3A_127 = arith.constant 16 : i32
      %mul3A_128 = arith.muli %add3A_126, %mul3A_127 : i32
      %and3A = arith.constant 1023 : i32
      %and3A_129 = arith.andi %mul3A_128, %and3A : i32
      %add3A_130 = vector.broadcast %and3A_129 : i32 to vector<16xi32>
      %add3A_131 = arith.addi %iota3A, %add3A_130 : vector<16xi32>
      %mul3A_132 = arith.constant 16 : i32
      %mul3A_133 = arith.muli %add3A_126, %mul3A_132 : i32
      %swap3A = arith.index_cast %mul3A_133 : i32 to index
      %swap3A_134 = tpu.vector_load %arg4[%swap3A] {strides = array<i32>} : memref<32768xi32, #tpu.memory_space<vmem>>, vector<16xi32>,
      %swap3A_135 = vector.shape_cast %swap3A_134 : vector<16xi32> to vector<16xi32>
      %swap3A_136 = vector.shape_cast %add3A_131 : vector<16xi32> to vector<16xi32>
      tpu.vector_store %arg4[%swap3A], %swap3A_136 {strides = array<i32>} : memref<32768xi32, #tpu.memory_space<vmem>>, vector<16xi32>,
      %mul3A_137 = arith.constant 8 : i32
      %mul3A_138 = arith.muli %scan3A_121, %mul3A_137 : i32
      %add3A_139 = arith.constant 1 : i32
      %add3A_140 = arith.addi %mul3A_138, %add3A_139 : i32
      %mul3A_141 = arith.constant 16 : i32
      %mul3A_142 = arith.muli %add3A_140, %mul3A_141 : i32
      %and3A_143 = arith.constant 1023 : i32
      %and3A_144 = arith.andi %mul3A_142, %and3A_143 : i32
      %add3A_145 = vector.broadcast %and3A_144 : i32 to vector<16xi32>
      %add3A_146 = arith.addi %iota3A, %add3A_145 : vector<16xi32>
      %mul3A_147 = arith.constant 16 : i32
      %mul3A_148 = arith.muli %add3A_140, %mul3A_147 : i32
      %swap3A_149 = arith.index_cast %mul3A_148 : i32 to index
      %swap3A_150 = tpu.vector_load %arg4[%swap3A_149] {strides = array<i32>} : memref<32768xi32, #tpu.memory_space<vmem>>, vector<16xi32>,
      %swap3A_151 = vector.shape_cast %swap3A_150 : vector<16xi32> to vector<16xi32>
      %swap3A_152 = vector.shape_cast %add3A_146 : vector<16xi32> to vector<16xi32>
      tpu.vector_store %arg4[%swap3A_149], %swap3A_152 {strides = array<i32>} : memref<32768xi32, #tpu.memory_space<vmem>>, vector<16xi32>,
      %mul3A_153 = arith.constant 8 : i32
      %mul3A_154 = arith.muli %scan3A_121, %mul3A_153 : i32
      %add3A_155 = arith.constant 2 : i32
      %add3A_156 = arith.addi %mul3A_154, %add3A_155 : i32
      %mul3A_157 = arith.constant 16 : i32
      %mul3A_158 = arith.muli %add3A_156, %mul3A_157 : i32
      %and3A_159 = arith.constant 1023 : i32
      %and3A_160 = arith.andi %mul3A_158, %and3A_159 : i32
      %add3A_161 = vector.broadcast %and3A_160 : i32 to vector<16xi32>
      %add3A_162 = arith.addi %iota3A, %add3A_161 : vector<16xi32>
      %mul3A_163 = arith.constant 16 : i32
      %mul3A_164 = arith.muli %add3A_156, %mul3A_163 : i32
      %swap3A_165 = arith.index_cast %mul3A_164 : i32 to index
      %swap3A_166 = tpu.vector_load %arg4[%swap3A_165] {strides = array<i32>} : memref<32768xi32, #tpu.memory_space<vmem>>, vector<16xi32>,
      %swap3A_167 = vector.shape_cast %swap3A_166 : vector<16xi32> to vector<16xi32>
      %swap3A_168 = vector.shape_cast %add3A_162 : vector<16xi32> to vector<16xi32>
      tpu.vector_store %arg4[%swap3A_165], %swap3A_168 {strides = array<i32>} : memref<32768xi32, #tpu.memory_space<vmem>>, vector<16xi32>,
      %mul3A_169 = arith.constant 8 : i32
      %mul3A_170 = arith.muli %scan3A_121, %mul3A_169 : i32
      %add3A_171 = arith.constant 3 : i32
      %add3A_172 = arith.addi %mul3A_170, %add3A_171 : i32
      %mul3A_173 = arith.constant 16 : i32
      %mul3A_174 = arith.muli %add3A_172, %mul3A_173 : i32
      %and3A_175 = arith.constant 1023 : i32
      %and3A_176 = arith.andi %mul3A_174, %and3A_175 : i32
      %add3A_177 = vector.broadcast %and3A_176 : i32 to vector<16xi32>
      %add3A_178 = arith.addi %iota3A, %add3A_177 : vector<16xi32>
      %mul3A_179 = arith.constant 16 : i32
      %mul3A_180 = arith.muli %add3A_172, %mul3A_179 : i32
      %swap3A_181 = arith.index_cast %mul3A_180 : i32 to index
      %swap3A_182 = tpu.vector_load %arg4[%swap3A_181] {strides = array<i32>} : memref<32768xi32, #tpu.memory_space<vmem>>, vector<16xi32>,
      %swap3A_183 = vector.shape_cast %swap3A_182 : vector<16xi32> to vector<16xi32>
      %swap3A_184 = vector.shape_cast %add3A_178 : vector<16xi32> to vector<16xi32>
      tpu.vector_store %arg4[%swap3A_181], %swap3A_184 {strides = array<i32>} : memref<32768xi32, #tpu.memory_space<vmem>>, vector<16xi32>,
      %mul3A_185 = arith.constant 8 : i32
      %mul3A_186 = arith.muli %scan3A_121, %mul3A_185 : i32
      %add3A_187 = arith.constant 4 : i32
      %add3A_188 = arith.addi %mul3A_186, %add3A_187 : i32
      %mul3A_189 = arith.constant 16 : i32
      %mul3A_190 = arith.muli %add3A_188, %mul3A_189 : i32
      %and3A_191 = arith.constant 1023 : i32
      %and3A_192 = arith.andi %mul3A_190, %and3A_191 : i32
      %add3A_193 = vector.broadcast %and3A_192 : i32 to vector<16xi32>
      %add3A_194 = arith.addi %iota3A, %add3A_193 : vector<16xi32>
      %mul3A_195 = arith.constant 16 : i32
      %mul3A_196 = arith.muli %add3A_188, %mul3A_195 : i32
      %swap3A_197 = arith.index_cast %mul3A_196 : i32 to index
      %swap3A_198 = tpu.vector_load %arg4[%swap3A_197] {strides = array<i32>} : memref<32768xi32, #tpu.memory_space<vmem>>, vector<16xi32>,
      %swap3A_199 = vector.shape_cast %swap3A_198 : vector<16xi32> to vector<16xi32>
      %swap3A_200 = vector.shape_cast %add3A_194 : vector<16xi32> to vector<16xi32>
      tpu.vector_store %arg4[%swap3A_197], %swap3A_200 {strides = array<i32>} : memref<32768xi32, #tpu.memory_space<vmem>>, vector<16xi32>,
      %mul3A_201 = arith.constant 8 : i32
      %mul3A_202 = arith.muli %scan3A_121, %mul3A_201 : i32
      %add3A_203 = arith.constant 5 : i32
      %add3A_204 = arith.addi %mul3A_202, %add3A_203 : i32
      %mul3A_205 = arith.constant 16 : i32
      %mul3A_206 = arith.muli %add3A_204, %mul3A_205 : i32
      %and3A_207 = arith.constant 1023 : i32
      %and3A_208 = arith.andi %mul3A_206, %and3A_207 : i32
      %add3A_209 = vector.broadcast %and3A_208 : i32 to vector<16xi32>
      %add3A_210 = arith.addi %iota3A, %add3A_209 : vector<16xi32>
      %mul3A_211 = arith.constant 16 : i32
      %mul3A_212 = arith.muli %add3A_204, %mul3A_211 : i32
      %swap3A_213 = arith.index_cast %mul3A_212 : i32 to index
      %swap3A_214 = tpu.vector_load %arg4[%swap3A_213] {strides = array<i32>} : memref<32768xi32, #tpu.memory_space<vmem>>, vector<16xi32>,
      %swap3A_215 = vector.shape_cast %swap3A_214 : vector<16xi32> to vector<16xi32>
      %swap3A_216 = vector.shape_cast %add3A_210 : vector<16xi32> to vector<16xi32>
      tpu.vector_store %arg4[%swap3A_213], %swap3A_216 {strides = array<i32>} : memref<32768xi32, #tpu.memory_space<vmem>>, vector<16xi32>,
      %mul3A_217 = arith.constant 8 : i32
      %mul3A_218 = arith.muli %scan3A_121, %mul3A_217 : i32
      %add3A_219 = arith.constant 6 : i32
      %add3A_220 = arith.addi %mul3A_218, %add3A_219 : i32
      %mul3A_221 = arith.constant 16 : i32
      %mul3A_222 = arith.muli %add3A_220, %mul3A_221 : i32
      %and3A_223 = arith.constant 1023 : i32
      %and3A_224 = arith.andi %mul3A_222, %and3A_223 : i32
      %add3A_225 = vector.broadcast %and3A_224 : i32 to vector<16xi32>
      %add3A_226 = arith.addi %iota3A, %add3A_225 : vector<16xi32>
      %mul3A_227 = arith.constant 16 : i32
      %mul3A_228 = arith.muli %add3A_220, %mul3A_227 : i32
      %swap3A_229 = arith.index_cast %mul3A_228 : i32 to index
      %swap3A_230 = tpu.vector_load %arg4[%swap3A_229] {strides = array<i32>} : memref<32768xi32, #tpu.memory_space<vmem>>, vector<16xi32>,
      %swap3A_231 = vector.shape_cast %swap3A_230 : vector<16xi32> to vector<16xi32>
      %swap3A_232 = vector.shape_cast %add3A_226 : vector<16xi32> to vector<16xi32>
      tpu.vector_store %arg4[%swap3A_229], %swap3A_232 {strides = array<i32>} : memref<32768xi32, #tpu.memory_space<vmem>>, vector<16xi32>,
      %mul3A_233 = arith.constant 8 : i32
      %mul3A_234 = arith.muli %scan3A_121, %mul3A_233 : i32
      %add3A_235 = arith.constant 7 : i32
      %add3A_236 = arith.addi %mul3A_234, %add3A_235 : i32
      %mul3A_237 = arith.constant 16 : i32
      %mul3A_238 = arith.muli %add3A_236, %mul3A_237 : i32
      %and3A_239 = arith.constant 1023 : i32
      %and3A_240 = arith.andi %mul3A_238, %and3A_239 : i32
      %add3A_241 = vector.broadcast %and3A_240 : i32 to vector<16xi32>
      %add3A_242 = arith.addi %iota3A, %add3A_241 : vector<16xi32>
      %mul3A_243 = arith.constant 16 : i32
      %mul3A_244 = arith.muli %add3A_236, %mul3A_243 : i32
      %swap3A_245 = arith.index_cast %mul3A_244 : i32 to index
      %swap3A_246 = tpu.vector_load %arg4[%swap3A_245] {strides = array<i32>} : memref<32768xi32, #tpu.memory_space<vmem>>, vector<16xi32>,
      %swap3A_247 = vector.shape_cast %swap3A_246 : vector<16xi32> to vector<16xi32>
      %swap3A_248 = vector.shape_cast %add3A_242 : vector<16xi32> to vector<16xi32>
      tpu.vector_store %arg4[%swap3A_245], %swap3A_248 {strides = array<i32>} : memref<32768xi32, #tpu.memory_space<vmem>>, vector<16xi32>,
      %scan3A_249 = arith.constant 0 : i32
      scf.yield %scan3A_249 : i32
    }
    %scan3A_106 = arith.constant 64 : i32
    %scan3A_107 = arith.constant 0 : i32
    %scan3A_108 = arith.constant 0 : i32
    %scan3A_109 = arith.constant 8 : i32
    %scan3A_110 = arith.addi %scan3A_108, %scan3A_109 : i32
    %scan3A_111 = arith.constant 1 : i32
    %scan3A_112 = scf.for %scan3A_121 = %scan3A_108 to %scan3A_110 step %scan3A_111 iter_args(%scan3A_122 = %scan3A_107) -> (i32)  : i32 {
      %mul3A_123 = arith.constant 1048576 : i32
      %mul3A_124 = arith.muli %scan3A_121, %mul3A_123 : i32
      %mul3A_125 = arith.constant 32768 : i32
      %mul3A_126 = arith.muli %add3A, %mul3A_125 : i32
      %add3A_127 = arith.addi %mul3A_124, %mul3A_126 : i32
      %add3A_128 = arith.constant 24576 : i32
      %add3A_129 = arith.addi %add3A_127, %add3A_128 : i32
      %dma_start3A = arith.constant 1 : i32
      %dma_start3A_130 = arith.constant 24576 : i32
      %dma_start3A_131 = tpu.memref_slice %arg4[%dma_start3A_130] : memref<32768xi32, #tpu.memory_space<vmem>> -> memref<8192xi32, #tpu.memory_space<vmem>>
      %dma_start3A_132 = tpu.memref_slice %arg2[%dma_start3A, %add3A_129] : memref<2x8388608xi32, #tpu.memory_space<hbm>> -> memref<1x8192xi32, #tpu.memory_space<hbm>>
      %dma_start3A_133 = tpu.memref_squeeze %dma_start3A_132 : memref<1x8192xi32, #tpu.memory_space<hbm>> -> memref<8192xi32, #tpu.memory_space<hbm>>
      %dma_start3A_134 = tpu.memref_slice %arg2[%dma_start3A, %add3A_129] : memref<2x8388608xi32, #tpu.memory_space<hbm>> -> memref<1x8192xi32, #tpu.memory_space<hbm>>
      %dma_start3A_135 = tpu.memref_squeeze %dma_start3A_134 : memref<1x8192xi32, #tpu.memory_space<hbm>> -> memref<8192xi32, #tpu.memory_space<hbm>>
      %dma_start3A_136 = arith.constant 24576 : i32
      %dma_start3A_137 = tpu.memref_slice %arg4[%dma_start3A_136] : memref<32768xi32, #tpu.memory_space<vmem>> -> memref<8192xi32, #tpu.memory_space<vmem>>
      tpu.enqueue_dma source(%dma_start3A_137 : memref<8192xi32, #tpu.memory_space<vmem>>) target(%dma_start3A_135 : memref<8192xi32, #tpu.memory_space<hbm>>) target_semaphore(%arg5 : memref<!tpu.dma_semaphore, #tpu.memory_space<semaphore_mem>>)
      %scan3A_138 = arith.constant 0 : i32
      scf.yield %scan3A_138 : i32
    }
    %scan3A_113 = arith.constant 8 : i32
    %scan3A_114 = arith.constant 0 : i32
    %scan3A_115 = arith.constant 0 : i32
    %scan3A_116 = arith.constant 64 : i32
    %scan3A_117 = arith.addi %scan3A_115, %scan3A_116 : i32
    %scan3A_118 = arith.constant 1 : i32
    %scan3A_119 = scf.for %scan3A_121 = %scan3A_115 to %scan3A_117 step %scan3A_118 iter_args(%scan3A_122 = %scan3A_114) -> (i32)  : i32 {
      %dma_wait3A = arith.constant 0 : i32
      %dma_wait3A_123 = arith.constant 0 : i32
      %dma_wait3A_124 = tpu.memref_slice %arg3[%dma_wait3A_123] : memref<32768xi32, #tpu.memory_space<vmem>> -> memref<8192xi32, #tpu.memory_space<vmem>>
      %dma_wait3A_125 = arith.constant 0 : i32
      %dma_wait3A_126 = tpu.memref_slice %arg2[%dma_wait3A, %dma_wait3A_125] : memref<2x8388608xi32, #tpu.memory_space<hbm>> -> memref<1x8192xi32, #tpu.memory_space<hbm>>
      %dma_wait3A_127 = tpu.memref_squeeze %dma_wait3A_126 : memref<1x8192xi32, #tpu.memory_space<hbm>> -> memref<8192xi32, #tpu.memory_space<hbm>>
      %dma_wait3A_128 = arith.constant 0 : i32
      %dma_wait3A_129 = tpu.memref_slice %arg2[%dma_wait3A, %dma_wait3A_128] : memref<2x8388608xi32, #tpu.memory_space<hbm>> -> memref<1x8192xi32, #tpu.memory_space<hbm>>
      %dma_wait3A_130 = tpu.memref_squeeze %dma_wait3A_129 : memref<1x8192xi32, #tpu.memory_space<hbm>> -> memref<8192xi32, #tpu.memory_space<hbm>>
      %dma_wait3A_131 = arith.constant 0 : i32
      %dma_wait3A_132 = tpu.memref_slice %arg3[%dma_wait3A_131] : memref<32768xi32, #tpu.memory_space<vmem>> -> memref<8192xi32, #tpu.memory_space<vmem>>
      tpu.wait_dma2 semaphore(%arg5 : memref<!tpu.dma_semaphore, #tpu.memory_space<semaphore_mem>>) src(%dma_wait3A_132 : memref<8192xi32, #tpu.memory_space<vmem>>) dst(%dma_wait3A_130 : memref<8192xi32, #tpu.memory_space<hbm>>)
      %scan3A_133 = arith.constant 0 : i32
      scf.yield %scan3A_133 : i32
    }
    %scan3A_120 = arith.constant 64 : i32
    return
  }
}

module attributes {stable_mosaic.version = 14 : i64} {
  func.func @_tc_body(%arg0: i32, %arg1: memref<2048x1024xf32, #tpu.memory_space<vmem>>, %arg2: memref<2097152xf32, #tpu.memory_space<vmem>>) attributes {dimension_semantics = [#tpu.dimension_semantics<arbitrary>], iteration_bounds = array<i64: 4>, scalar_prefetch = 0 : i64, scratch_operands = 0 : i64, tpu.core_type = #tpu.core_type<tc>, window_params = [{transform_indices = @transform_0, window_bounds = array<i64: 2048, 1024>}, {transform_indices = @transform_1, window_bounds = array<i64: 2097152>}]} {
    %get3A = arith.constant 0 : index
    %get3A_0 = arith.constant 0 : index
    %get3A_1 = vector.load %arg1[%get3A, %get3A_0] : memref<2048x1024xf32, #tpu.memory_space<vmem>>, vector<2048x1024xf32>
    %mul3A = arith.constant 5.000000e-01 : f32
    %mul3A_2 = vector.broadcast %mul3A : f32 to vector<2048x1024xf32>
    %mul3A_3 = arith.mulf %mul3A_2, %get3A_1 : vector<2048x1024xf32>
    %tanh3A = math.tanh %mul3A_3 : vector<2048x1024xf32>
    %mul3A_4 = arith.constant 5.000000e-01 : f32
    %mul3A_5 = vector.broadcast %mul3A_4 : f32 to vector<2048x1024xf32>
    %mul3A_6 = arith.mulf %mul3A_5, %tanh3A : vector<2048x1024xf32>
    %add3A = arith.constant 5.000000e-01 : f32
    %add3A_7 = vector.broadcast %add3A : f32 to vector<2048x1024xf32>
    %add3A_8 = arith.addf %mul3A_6, %add3A_7 : vector<2048x1024xf32>
    %reshape3A = vector.shape_cast %add3A_8 : vector<2048x1024xf32> to vector<2097152xf32>
    %swap3A = arith.constant 0 : index
    %swap3A_9 = vector.load %arg2[%swap3A] : memref<2097152xf32, #tpu.memory_space<vmem>>, vector<2097152xf32>
    tpu.vector_store %arg2[%swap3A], %reshape3A {strides = array<i32>} : memref<2097152xf32, #tpu.memory_space<vmem>>, vector<2097152xf32>,
    return
  }
  func.func @transform_0(%arg0: i32) -> (i32, i32) {
    %c0_i32 = arith.constant 0 : i32
    %c0_i32_0 = arith.constant 0 : i32
    return %arg0, %c0_i32 : i32, i32
  }
  func.func @transform_1(%arg0: i32) -> i32 {
    %c0_i32 = arith.constant 0 : i32
    return %arg0 : i32
  }
}

</mosaic_0001>

<sc_bundles>
// kernel: kernel.4.cloned.1.call-start
scs
__scs_entry_jumppad:
0x0: {  	(pc) =	sbr.rel $0x88, $3  }
0x1: {  	(tag) =	ssettag $0x0;
	lr =	simm.s32 $0x1  }
0x2: {  	[smem:$0x3FA0] =	sst lr;
	_ =	strace $0xD0000000  }
0x3: {  	_ = 	snop  }
0x4: {  	_ = 	snop  }
0x5: {  	_ = 	snop  }
0x6: {  	_ = 	snop  }
0x7: {  	_ = 	snop  }
__scs_overlays_trampoline_lowered:
0x8: {  	[smem:$0x3FAF] =	sst s0  }
0x9: {  	[smem:$0x3FB0] =	sst s1  }
0xa: {  	[smem:$0x3FB1] =	sst s2  }
0xb: {  	[smem:$0x3FB2] =	sst s3  }
0xc: {  	[smem:$0x3FB3] =	sst s4  }
0xd: {  	[smem:$0x3FB4] =	sst s5  }
0xe: {  	[smem:$0x3FB5] =	sst s6  }
0xf: {  	[smem:$0x3FB6] =	sst s7  }
0x10: {  	[smem:$0x3FB7] =	sst s8  }
0x11: {  	[smem:$0x3FB8] =	sst s9;
	s0 =	simm.s32 @!p0 $0x0  }
0x12: {  	s1 =	sld [smem:$0x3F9E];
	s0 =	simm.s32 @p0 $0x1  }
0x13: {  	[smem:$0x3FB9] =	sst s0;
	s0 =	simm.s32 @!p1 $0x0  }
0x14: {  	s2 =	sld [smem:$0x3F9D];
	s0 =	simm.s32 @p1 $0x1  }
0x15: {  	[smem:$0x3FBA] =	sst s0;
	s0 =	simm.s32 @!p2 $0x0  }
0x16: {  	s3 =	sld [smem:$0x3FDB];
	s0 =	simm.s32 @p2 $0x1  }
0x17: {  	s4 =	simm.s32 $0x1BF5;
	[smem:$0x3FBC] =	sst s0  }
0x18: {  	s0 =	sld [smem:$0x3F9F];
	_ =	swait.ge [sflag:s4], $0x0  }
0x19: {  	s7 =	sld [smem:$0x3FA0]  }
0x1a: {  	s8 =	sadd.s32 $0xFFFFE003, lr  }
0x1b: {  	s9 =	sadd.s32 $0xFFFFFEF7, lr;
	s5 =	simm.s32 $0xFFFFFFFF;
	p2 =	slt.u32 s8, $0xFFFFF086  }
0x1c: {  	p1 =	slt.u32 s9, $0xF7A;
	s5 =	simm.s32 @!p2 $0x0  }
0x1d: {  	s5 =	simm.s32 @p1 $0x1;
	p0 =	seq.s32 s7, s2  }
0x1e: {  	s7 =	smul.u32 @!p0 $0xF7A, s2;
	p2 =	seq.s32 @!p0 s5, $0x0  }
0x1f: {  	s9 =	smul.u32 $0xF7A, s1;
	s8 =	simm.s32 @!p0 $0x1BF5;
	p2 =	por !p2, p0  }
0x20: {  	[sflag:s8] =	ssyncset.s32 @!p0 $0xFFFFF086;
	s6 =	sadd.s32 @!p0 s3, s7;
	s7 =	simm.s32 @!p0 $0x108  }
0x21: {  	s3 =	sadd.s32 s3, s9;
	s6 =	sadd.s32 @!p0 $0x88, s6;
	s7 =	simm.s32 @p2 $0x1082  }
0x22: {  	[simem:s7], [sflag:s8] =	dma.local @!p0 [hbm:s6], $0xF7A  }
0x23: {  	s9 =	sor.u32 $0xD0000000, s2;
	s6 =	simm.s32 $0x108;
	_ =	swait.ge @!p0 [sflag:s8], $0x0  }
0x24: {  	s3 =	sadd.s32 $0x88, s3;
	s6 =	simm.s32 @!p1 $0x1082;
	[sflag:s4] =	ssyncset.s32 $0xFFFFF086  }
0x25: {  	[simem:s6], [sflag:s4] =	dma.local [hbm:s3], $0xF7A  }
0x26: {  	[smem:$0x3FA0] =	sst s1;
	(tag) =	ssettag s2;
	_ =	strace s9  }
0x27: {  	s1 =	sld [smem:$0x3FB0]  }
0x28: {  	s2 =	sld [smem:$0x3FB1]  }
0x29: {  	s4 =	sld [smem:$0x3FB3]  }
0x2a: {  	p0 =	seq.s32 s5, $0x0;
	s5 =	sld [smem:$0x3FB4]  }
0x2b: {  	s6 =	sld [smem:$0x3FB5]  }
0x2c: {  	s7 =	sld [smem:$0x3FB6]  }
0x2d: {  	s3 =	simm.s32 $0x108;
	s8 =	sld [smem:$0x3FB7]  }
0x2e: {  	s3 =	simm.s32 @!p0 $0x1082;
	s9 =	sld [smem:$0x3FB8]  }
0x2f: {  	lr =	sadd.s32 s0, s3;
	s0 =	sld [smem:$0x3FAF]  }
0x30: {  	s3 =	sld [smem:$0x3FB2]  }
0x31: {  	[smem:$0x3FBB] =	sst s10  }
0x32: {  	s10 =	sld [smem:$0x3FB9];
	_ =	sdelay $0x3  }
0x33: {  	p0 =	seq.s32 s10, $0x1;
	s10 =	sld [smem:$0x3FBB];
	_ =	sdelay $0x3  }
0x34: {  	[smem:$0x3FBB] =	sst s10  }
0x35: {  	s10 =	sld [smem:$0x3FBA];
	_ =	sdelay $0x3  }
0x36: {  	p1 =	seq.s32 s10, $0x1;
	s10 =	sld [smem:$0x3FBB];
	_ =	sdelay $0x3  }
0x37: {  	[smem:$0x3FBB] =	sst s10  }
0x38: {  	s10 =	sld [smem:$0x3FBC]  }
0x39: {  	_ = 	snop;
	(pc) =	sbr.ind lr, $3  }
0x3a: {  	_ = 	snop  }
0x3b: {  	_ = 	snop  }
0x3c: {  	p2 =	seq.s32 s10, $0x1;
	s10 =	sld [smem:$0x3FBB]  }
0x3d: {  	_ =	shalt  }
0x3e: {  	_ =	shalt  }
0x3f: {  	_ =	shalt  }
0x40: {  	_ =	shalt  }
0x41: {  	_ =	shalt  }
0x42: {  	_ =	shalt  }
0x43: {  	_ =	shalt  }
0x44: {  	_ =	shalt  }
0x45: {  	_ =	shalt  }
0x46: {  	_ =	shalt  }
0x47: {  	_ =	shalt  }
0x48: {  	_ =	shalt  }
0x49: {  	_ =	shalt  }
0x4a: {  	_ =	shalt  }
0x4b: {  	_ =	shalt  }
0x4c: {  	_ =	shalt  }
0x4d: {  	_ =	shalt  }
0x4e: {  	_ =	shalt  }
0x4f: {  	_ =	shalt  }
0x50: {  	_ =	shalt  }
0x51: {  	_ =	shalt  }
0x52: {  	_ =	shalt  }
0x53: {  	_ =	shalt  }
0x54: {  	_ =	shalt  }
0x55: {  	_ =	shalt  }
0x56: {  	_ =	shalt  }
0x57: {  	_ =	shalt  }
0x58: {  	_ =	shalt  }
0x59: {  	_ =	shalt  }
0x5a: {  	_ =	shalt  }
0x5b: {  	_ =	shalt  }
0x5c: {  	_ =	shalt  }
0x5d: {  	_ =	shalt  }
0x5e: {  	_ =	shalt  }
0x5f: {  	_ =	shalt  }
0x60: {  	_ =	shalt  }
0x61: {  	_ =	shalt  }
0x62: {  	_ =	shalt  }
0x63: {  	_ =	shalt  }
0x64: {  	_ =	shalt  }
0x65: {  	_ =	shalt  }
0x66: {  	_ =	shalt  }
0x67: {  	_ =	shalt  }
0x68: {  	_ =	shalt  }
0x69: {  	_ =	shalt  }
0x6a: {  	_ =	shalt  }
0x6b: {  	_ =	shalt  }
0x6c: {  	_ =	shalt  }
0x6d: {  	_ =	shalt  }
0x6e: {  	_ =	shalt  }
0x6f: {  	_ =	shalt  }
0x70: {  	_ =	shalt  }
0x71: {  	_ =	shalt  }
0x72: {  	_ =	shalt  }
0x73: {  	_ =	shalt  }
0x74: {  	_ =	shalt  }
0x75: {  	_ =	shalt  }
0x76: {  	_ =	shalt  }
0x77: {  	_ =	shalt  }
0x78: {  	_ =	shalt  }
0x79: {  	_ =	shalt  }
0x7a: {  	_ =	shalt  }
0x7b: {  	_ =	shalt  }
0x7c: {  	_ =	shalt  }
0x7d: {  	_ =	shalt  }
0x7e: {  	_ =	shalt  }
0x7f: {  	_ =	shalt  }
0x80: {  	_ =	shalt  }
0x81: {  	_ =	shalt  }
0x82: {  	_ =	shalt  }
0x83: {  	_ =	shalt  }
0x84: {  	_ =	shalt  }
0x85: {  	_ =	shalt  }
0x86: {  	_ =	shalt  }
0x87: {  	_ =	shalt  }
.Lfunc_end0:
.L_simem_size_0:
called_computation_lowered:
.L_overlay_start_0:
0x88: {  	s2 =	sld [smem:$0x3FD9]  }
0x89: {  	s3 =	sld [smem:$0x3FFE];
	_ =	sdelay $0x1  }
0x8a: {  	s1 =	srdreg.scid  }
0x8b: {  	s0 =	sand.u32 $0x1, s1  }
0x8c: {  	s15 =	sshll.u32 s0, $0xA;
	s2 =	sadd.s32 s3, s2  }
0x8d: {  	s2 =	sadd.s32 s2, s15  }
0x8e: {  	[smem:$0x3FC7] =	sst s2  }
0x8f: {  	_ = 	snop  }
0x90: {  	s2 =	sld [smem:$0x3FD0];
	_ =	sdelay $0x2  }
0x91: {  	s16 =	simm.s32 $0xA;
	s4 =	simm.s32 $0x10  }
0x92: {  	[smem:s4], [sflag:s16] =	dma.local [hbm:s2], $0x1  }
0x93: {  	_ =	swait.eq [sflag:s16], $0x1  }
0x94: {  	[sflag:s16] =	ssyncset.done $0x0  }
0x95: {  	[sflag:s16] =	ssyncadd.s32 $0xFFFFFFFF  }
0x96: {  	s17 =	sld [smem:$0x10];
	(tm) =	ssettm $0x1  }
0x97: {  	s18 =	sld [smem:$0x3FFB];
	_ =	sdelay $0x3  }
0x98: {  	_ =	strace s18  }
0x99: {  	s3 =	sld [smem:$0x3FFC];
	_ =	sdelay $0x3  }
0x9a: {  	_ =	strace s3  }
0x9b: {  	s3 =	sld [smem:$0x3FFD];
	_ =	sdelay $0x3  }
0x9c: {  	_ =	strace s3  }
0x9d: {  	_ =	strace $0x8FFFFFFF  }
0x9e: {  	s19 =	sld [smem:$0x3FDB];
	_ =	sdelay $0x1  }
0x9f: {  	s20 =	simm.s32 $_scs_section_size  }
0xa0: {  	s5 =	simm.s32 $_size__tile_overlayer_lowered;
	s6 =	simm.s32 $_tile_overlayer_lowered  }
0xa1: {  	s23 =	simm.s32 $0x1BFF;
	s22 =	sshll.u32 s6, $0x1;
	s3 =	sadd.s32 s20, s19  }
0xa2: {  	s7 =	simm.s32 $0x0;
	s21 =	sshll.u32 s5, $0x1;
	s5 =	sadd.s32 s22, s3  }
0xa3: {  	[timem:s7], [sflag:s23] =	dma.local [hbm:s5], s21  }
0xa4: {  	_ =	swait.ge [sflag:s23], s21  }
0xa5: {  	s4 =	ssub.s32 $0x0, s21;
	[sflag:s23] =	ssyncset.done $0x0  }
0xa6: {  	[sflag:s23] =	ssyncadd.s32 s4;
	_ =	sdelay $0x1  }
0xa7: {  	s24 =	simm.s32 $0x1B8B  }
0xa8: {  	_ =	swait.ge [sflag:s24], $0x1  }
0xa9: {  	[sflag:s24] =	ssyncset.done $0x0  }
0xaa: {  	s25 =	simm.s32 $0x1B8E;
	[sflag:s24] =	ssyncadd.s32 $0xFFFFFFFF  }
0xab: {  	s26 =	simm.s32 $execute0_lowered;
	[smem:$0x3FD2] =	sst s25  }
0xac: {  	s4 =	sshll.u32 s26, $0x1;
	_ =	strace $0x80000046;
	[dreg:$0x1] =	wrdreg $0xFFFFFFFF  }
0xad: {  	s28 =	simm.s32 $_size_execute0_lowered;
	s3 =	sadd.s32 s3, s4;
	[dreg:$0x0] =	wrdreg $0x0  }
0xae: {  	s4 =	sshll.u32 s28, $0x1;
	[dreg:$0x2] =	wrdreg s3  }
0xaf: {  	[dreg:$0x3] =	wrdreg s4  }
0xb0: {  	[dreg:$0x4] =	wrdreg $0xC0  }
0xb1: {  	_ =	task [dreg:s7], $0x5FFFF  }
0xb2: {  	[dreg:$0x1] =	wrdreg $0xFFFFFFFF  }
0xb3: {  	[dreg:$0x0] =	wrdreg $0x60  }
0xb4: {  	[dreg:$0x2] =	wrdreg s17  }
0xb5: {  	[dreg:$0x3] =	wrdreg $0x9  }
0xb6: {  	_ =	task.clear_ibuf [dreg:s7], $0x4FFFF;
	_ =	strace $0x90000046  }
0xb7: {  	s29 =	simm.s32 $0x9;
	_ =	strace $0x80000048  }
0xb8: {  	_ =	swait.ge [sflag:s29], $0x1  }
0xb9: {  	[sflag:s29] =	ssyncadd.s32 $0xFFFFFFFF  }
0xba: {  	_ =	strace $0x90000048  }
0xbb: {  	_ =	sfence  }
0xbc: {  	s30 =	sld [smem:$0x0];
	_ =	sdelay $0x2  }
0xbd: {  	s31 =	sshll.u32 s1, $0xD;
	s1 =	sshrl.u32 s1, $0x2  }
0xbe: {  	s3 =	sand.u32 $0x4000, s31;
	s1 =	sadd.s32 s1, s30  }
0xbf: {  	s0 =	sor.u32 s3, s0;
	s1 =	sshll.u32 s1, $0x11  }
0xc0: {  	s0 =	sor.u32 s1, s0  }
0xc1: {  	s0 =	sadd.s32 $0x8F2B, s0  }
0xc2: {  	[sflag:s0] =	ssyncadd.remote.s32 $0x1  }
0xc3: {  	_ =	sfence.sel $0xFFFF  }
0xc4: {  	[dreg:$0x0] =	wrdreg $0xFFFFFFFF;
	(pc) =	sbr.abs _section_cstart, $3  }
0xc5: {  	[dreg:$0x1] =	wrdreg $0xFFFFFFFF  }
0xc6: {  	_ =	task.clear_ibuf [dreg:s7], $0x2FFFF;
	_ =	strace $0x9FFFFFFF  }
0xc7: {  	(tm) =	ssettm $0x7FFFFFFF  }
tec
execute0_lowered:
.L_overlay_start_1:
0x0: {  	(tag) =	ssettag $0x1  }
0x1: {  	s0 =	srdreg.scid;
	s2 =	stileid.u32  }
0x2: {  	s0 =	sand.u32 $0x1, s0;
	s3 =	sshll.u32 s2, $0x1  }
0x3: {  	s4 =	sor.u32 s0, s3  }
0x4: {  	s1 =	rddreg [dreg:$0x0];
	s3 =	sshll.u32 s4, $0xD  }
0x5: {  	s2 =	simm.s32 $0x0;
	s3 =	sadd.s32 s1, s3  }
0x6: {  	[smem:$0x7FF] =	sst s2;
	s5 =	sadd.s32 $0x1000, s3  }
0x7: {  	_ =	strace $0x80000047;
	s30 =	sadd.s32 $0x40000, s3;
	[dreg:$0x2] =	wrdreg s5  }
0x8: {  	s31 =	sadd.s32 $0x80000, s3;
	[dreg:$0x3] =	wrdreg s30  }
0x9: {  	s6 =	sadd.s32 $0xC0000, s3;
	[dreg:$0x4] =	wrdreg s31  }
0xa: {  	s7 =	sadd.s32 $0x100000, s3;
	[dreg:$0x5] =	wrdreg s6  }
0xb: {  	s8 =	sadd.s32 $0x140000, s3;
	[dreg:$0x6] =	wrdreg s7  }
0xc: {  	s9 =	sadd.s32 $0x180000, s3;
	[dreg:$0x7] =	wrdreg s8  }
0xd: {  	s10 =	sadd.s32 $0x1C0000, s3;
	[dreg:$0x8] =	wrdreg s9  }
0xe: {  	s11 =	sadd.s32 $0x40800, s3;
	[dreg:$0x9] =	wrdreg s10  }
0xf: {  	s12 =	sadd.s32 $0x80800, s3;
	[dreg:$0xa] =	wrdreg s11  }
0x10: {  	s13 =	sadd.s32 $0x100800, s3;
	[dreg:$0xb] =	wrdreg s12  }
0x11: {  	s14 =	sadd.s32 $0x800, s3;
	[dreg:$0xc] =	wrdreg s13  }
0x12: {  	s15 =	sadd.s32 $0x140800, s3;
	[dreg:$0xd] =	wrdreg s14  }
0x13: {  	s16 =	sadd.s32 $0x180800, s3;
	[dreg:$0xe] =	wrdreg s15  }
0x14: {  	s17 =	sadd.s32 $0xC0800, s3;
	[dreg:$0xf] =	wrdreg s16  }
0x15: {  	s18 =	sadd.s32 $0x1C0800, s3;
	[dreg:$0x10] =	wrdreg s17  }
0x16: {  	s19 =	sadd.s32 $0x41000, s3;
	[dreg:$0x11] =	wrdreg s18  }
0x17: {  	s20 =	sadd.s32 $0x81000, s3;
	[dreg:$0x12] =	wrdreg s19  }
0x18: {  	s21 =	sadd.s32 $0xC1000, s3;
	[dreg:$0x13] =	wrdreg s20  }
0x19: {  	s22 =	sadd.s32 $0x101000, s3;
	[dreg:$0x14] =	wrdreg s21  }
0x1a: {  	s23 =	sadd.s32 $0x141000, s3;
	[dreg:$0x15] =	wrdreg s22  }
0x1b: {  	s24 =	sadd.s32 $0x181000, s3;
	[dreg:$0x16] =	wrdreg s23  }
0x1c: {  	s25 =	sadd.s32 $0x1C1000, s3;
	[dreg:$0x17] =	wrdreg s24  }
0x1d: {  	s26 =	sadd.s32 $0x41800, s3;
	[dreg:$0x18] =	wrdreg s25  }
0x1e: {  	s28 =	sadd.s32 $0x81800, s3;
	[dreg:$0x19] =	wrdreg s26  }
0x1f: {  	s29 =	sadd.s32 $0xC1800, s3;
	[dreg:$0x1a] =	wrdreg s28  }
0x20: {  	[dreg:$0x1b] =	wrdreg s29;
	s30 =	sadd.s32 $0x101800, s3  }
0x21: {  	s31 =	sadd.s32 $0x141800, s3;
	[dreg:$0x1c] =	wrdreg s30  }
0x22: {  	s5 =	sadd.s32 $0x1800, s3;
	[dreg:$0x1d] =	wrdreg s31  }
0x23: {  	s6 =	sadd.s32 $0x181800, s3;
	[dreg:$0x1e] =	wrdreg s5  }
0x24: {  	s7 =	sadd.s32 $0x1C1800, s3;
	[dreg:$0x1f] =	wrdreg s6  }
0x25: {  	s8 =	sadd.s32 $0x40010, s3;
	[smem:$0x7E5] =	sst s7  }
0x26: {  	s9 =	sadd.s32 $0x80010, s3;
	[smem:$0x7E6] =	sst s8  }
0x27: {  	s0 =	ssub.s32 $0x2, s0;
	s10 =	sadd.s32 $0xC0010, s3;
	[smem:$0x7E7] =	sst s9  }
0x28: {  	s1 =	sshrl.u32 s0, $0x1;
	s11 =	sadd.s32 $0x100010, s3;
	[smem:$0x7E8] =	sst s10  }
0x29: {  	s0 =	ssub.s32 s0, s1;
	s12 =	sadd.s32 $0x140010, s3;
	[smem:$0x7E9] =	sst s11  }
0x2a: {  	s0 =	smax.u32 s0, $0x1;
	[smem:$0x7EA] =	sst s12  }
0x2b: {  	s13 =	sadd.s32 $0x180010, s3;
	[smem:$0x7EB] =	sst s0  }
0x2c: {  	s14 =	sadd.s32 $0x1C0010, s3;
	[smem:$0x7EC] =	sst s13  }
0x2d: {  	s15 =	sadd.s32 $0x40810, s3;
	[smem:$0x7ED] =	sst s14  }
0x2e: {  	s16 =	sadd.s32 $0x80810, s3;
	[smem:$0x7EE] =	sst s15  }
0x2f: {  	s17 =	sadd.s32 $0xC0810, s3;
	[smem:$0x7EF] =	sst s16  }
0x30: {  	s18 =	sadd.s32 $0x10, s3;
	[smem:$0x7F0] =	sst s17  }
0x31: {  	s19 =	sadd.s32 $0x100810, s3;
	[smem:$0x7F1] =	sst s18  }
0x32: {  	s20 =	sadd.s32 $0x140810, s3;
	[smem:$0x7F2] =	sst s19  }
0x33: {  	s21 =	sadd.s32 $0x810, s3;
	[smem:$0x7F3] =	sst s20  }
0x34: {  	s22 =	sadd.s32 $0x180810, s3;
	[smem:$0x7F4] =	sst s21  }
0x35: {  	s23 =	sadd.s32 $0x1C0810, s3;
	[smem:$0x7F5] =	sst s22  }
0x36: {  	s24 =	sadd.s32 $0x41010, s3;
	[smem:$0x7F6] =	sst s23  }
0x37: {  	s25 =	sadd.s32 $0x81010, s3;
	[smem:$0x7F7] =	sst s24  }
0x38: {  	s26 =	sadd.s32 $0x101010, s3;
	[smem:$0x7F8] =	sst s25  }
0x39: {  	s1 =	sadd.s32 $0x1C1010, s3;
	s28 =	sadd.s32 $0x1010, s3;
	[smem:$0x7F9] =	sst s26  }
0x3a: {  	s29 =	sadd.s32 $0x141010, s3;
	s9 =	sshll.u32 s4, $0x5;
	[smem:$0x7FA] =	sst s28  }
0x3b: {  	[smem:$0x7FB] =	sst s29;
	s30 =	sadd.s32 $0x181010, s3;
	s31 =	sadd.s32 $0xC1010, s3  }
0x3c: {  	s0 =	sadd.s32 $0x41810, s3;
	s4 =	sadd.s32 $0x81810, s3;
	s5 =	sadd.s32 $0xC1810, s3  }
0x3d: {  	s6 =	sadd.s32 $0x101810, s3;
	s7 =	sadd.s32 $0x1810, s3;
	s8 =	sadd.s32 $0x141810, s3  }
0x3e: {  	s10 =	sadd.s32 $0x181810, s3;
	s11 =	sadd.s32 $0x1C1810, s3;
	s12 =	simm.s32 $0x80  }
0x3f: {  	s13 =	simm.s32 $0x100;
	s14 =	simm.s32 $0x2000;
	s15 =	simm.s32 $0x4000  }
0x40: {  	s16 =	simm.s32 $0x6000;
	s17 =	simm.s32 $0x8000;
	s18 =	simm.s32 $0xA000  }
0x41: {  	s19 =	simm.s32 $0xC000;
	s20 =	simm.s32 $0xE000;
	[smem:$0x7FC] =	sst s30  }
0x42: {  	v0 =	vlaneseq.u32;
	s21 =	simm.s32 $0x1;
	s22 =	simm.s32 $0x0;
	[smem:$0x7FD] =	sst s31  }
.LBB2_1:
0x43: {  	s23 =	simm.s32 $0x0  }
0x44: {  	s24 =	sor.u32 s9, s23  }
0x45: {  	s23 =	simm.s32 $0x40;
	v1 =	vmov s24  }
0x46: {  	[tilespmem:s23+$0x30] =	vst v1  }
0x47: {  	[tilespmem:s23+$0xFFFFFFC0] =	vst v1  }
0x48: {  	[tilespmem:s23+$0xFFFFFFD0] =	vst v1  }
0x49: {  	[tilespmem:s23+$0xFFFFFFE0] =	vst v1  }
0x4a: {  	[tilespmem:s23+$0xFFFFFFF0] =	vst v1  }
0x4b: {  	s25 =	simm.s32 $0x0;
	s24 =	simm.s32 $0x2;
	[tilespmem:s23+$0x0] =	vst v1  }
.LBB2_2:
0x4c: {  	p0 =	sne.s32 s24, $0x3F;
	s25 =	sor.u32 s9, s25;
	[tilespmem:s23+$0x10] =	vst v1  }
0x4d: {  	[tilespmem:s23+$0x20] =	vst v1;
	v1 =	vmov s25;
	s23 =	sadd.s32 $0x80, s23  }
0x4e: {  	[tilespmem:s23+$0x30] =	vst v1  }
.Ltmp0:
0x4f: {  	[tilespmem:s23+$0xFFFFFFC0] =	vst v1;
	(pc) =	sbr.rel @p0 .LBB2_2-.Ltmp0, $4  }
0x50: {  	[tilespmem:s23+$0xFFFFFFD0] =	vst v1  }
0x51: {  	[tilespmem:s23+$0xFFFFFFE0] =	vst v1  }
0x52: {  	[tilespmem:s23+$0xFFFFFFF0] =	vst v1  }
0x53: {  	s25 =	sshrl.u32 s24, $0x3;
	s24 =	sadd.s32 $0x1, s24;
	[tilespmem:s23+$0x0] =	vst v1  }
0x54: {  	s24 =	sor.u32 s9, s25;
	[tilespmem:s23+$0x10] =	vst v1  }
0x55: {  	[tilespmem:s23+$0x20] =	vst v1;
	s29 =	sadd.s32 $0x80, s23;
	v2 =	vmov s24  }
0x56: {  	[tilespmem:s29+$0x30] =	vst v2  }
0x57: {  	[tilespmem:s29+$0xFFFFFFC0] =	vst v2  }
0x58: {  	[tilespmem:s29+$0xFFFFFFD0] =	vst v2  }
0x59: {  	[tilespmem:s29+$0xFFFFFFE0] =	vst v2  }
0x5a: {  	[tilespmem:s29+$0xFFFFFFF0] =	vst v2  }
0x5b: {  	[tilespmem:s29+$0x0] =	vst v2  }
0x5c: {  	[tilespmem:s29+$0x10] =	vst v2  }
0x5d: {  	[tilespmem:s29+$0x20] =	vst v2  }
0x5e: {  	[hbm4b:s3+s12] =	stream.strided.scatter [tilespmem:s2], [sflag:$0x1], $0x2000, s13, s12, $0x38;
	[tilespmem:$0x10000] =	vst v63  }
0x5f: {  	s30 =	rddreg [dreg:$0x3]  }
0x60: {  	[hbm4b:s30+s12] =	stream.strided.scatter [tilespmem:s2], [sflag:$0x1], $0x2000, s13, s12, $0x38;
	[tilespmem:$0x10000] =	vst v63  }
0x61: {  	s31 =	rddreg [dreg:$0x4]  }
0x62: {  	[hbm4b:s31+s12] =	stream.strided.scatter [tilespmem:s2], [sflag:$0x1], $0x2000, s13, s12, $0x38;
	[tilespmem:$0x10000] =	vst v63  }
0x63: {  	s24 =	rddreg [dreg:$0x5]  }
0x64: {  	[hbm4b:s24+s12] =	stream.strided.scatter [tilespmem:s2], [sflag:$0x1], $0x2000, s13, s12, $0x38;
	[tilespmem:$0x10000] =	vst v63  }
0x65: {  	s25 =	rddreg [dreg:$0x6]  }
0x66: {  	[hbm4b:s25+s12] =	stream.strided.scatter [tilespmem:s2], [sflag:$0x1], $0x2000, s13, s12, $0x38;
	[tilespmem:$0x10000] =	vst v63  }
0x67: {  	s26 =	rddreg [dreg:$0x7]  }
0x68: {  	[hbm4b:s26+s12] =	stream.strided.scatter [tilespmem:s2], [sflag:$0x1], $0x2000, s13, s12, $0x38;
	[tilespmem:$0x10000] =	vst v63  }
0x69: {  	s28 =	rddreg [dreg:$0x8];
	s30 =	simm.s32 $0x8  }
0x6a: {  	[hbm4b:s28+s12] =	stream.strided.scatter [tilespmem:s2], [sflag:$0x1], $0x2000, s13, s12, $0x38;
	[tilespmem:$0x10000] =	vst v63  }
0x6b: {  	s23 =	simm.s32 $0x2070;
	s29 =	rddreg [dreg:$0x9];
	s31 =	sor.u32 s9, s30  }
0x6c: {  	v1 =	vmov s31;
	[hbm4b:s29+s12] =	stream.strided.scatter [tilespmem:s2], [sflag:$0x1], $0x2000, s13, s12, $0x38;
	[tilespmem:$0x10000] =	vst v63  }
0x6d: {  	[tilespmem:s23+$0x0] =	vst v1  }
0x6e: {  	[tilespmem:s23+$0xFFFFFF90] =	vst v1  }
0x6f: {  	[tilespmem:s23+$0xFFFFFFA0] =	vst v1  }
0x70: {  	[tilespmem:s23+$0xFFFFFFB0] =	vst v1  }
0x71: {  	[tilespmem:s23+$0xFFFFFFC0] =	vst v1  }
0x72: {  	s24 =	simm.s32 $0x42;
	s25 =	simm.s32 $0x8;
	[tilespmem:s23+$0xFFFFFFD0] =	vst v1  }
.LBB2_4:
0x73: {  	p0 =	sne.s32 s24, $0x7F;
	s25 =	sor.u32 s9, s25;
	[tilespmem:s23+$0xFFFFFFE0] =	vst v1  }
0x74: {  	[tilespmem:s23+$0xFFFFFFF0] =	vst v1;
	v1 =	vmov s25;
	s23 =	sadd.s32 $0x80, s23  }
0x75: {  	[tilespmem:s23+$0x0] =	vst v1  }
.Ltmp1:
0x76: {  	[tilespmem:s23+$0xFFFFFF90] =	vst v1;
	(pc) =	sbr.rel @p0 .LBB2_4-.Ltmp1, $4  }
0x77: {  	[tilespmem:s23+$0xFFFFFFA0] =	vst v1  }
0x78: {  	[tilespmem:s23+$0xFFFFFFB0] =	vst v1  }
0x79: {  	[tilespmem:s23+$0xFFFFFFC0] =	vst v1  }
0x7a: {  	s25 =	sshrl.u32 s24, $0x3;
	s24 =	sadd.s32 $0x1, s24;
	[tilespmem:s23+$0xFFFFFFD0] =	vst v1  }
0x7b: {  	s24 =	sor.u32 s9, s25;
	[tilespmem:s23+$0xFFFFFFE0] =	vst v1  }
0x7c: {  	[tilespmem:s23+$0xFFFFFFF0] =	vst v1;
	s25 =	sadd.s32 $0x80, s23;
	v2 =	vmov s24  }
0x7d: {  	[tilespmem:s25+$0x0] =	vst v2  }
0x7e: {  	[tilespmem:s25+$0xFFFFFF90] =	vst v2  }
0x7f: {  	[tilespmem:s25+$0xFFFFFFA0] =	vst v2  }
0x80: {  	[tilespmem:s25+$0xFFFFFFB0] =	vst v2  }
0x81: {  	[tilespmem:s25+$0xFFFFFFC0] =	vst v2  }
0x82: {  	[tilespmem:s25+$0xFFFFFFD0] =	vst v2  }
0x83: {  	[tilespmem:s25+$0xFFFFFFE0] =	vst v2  }
0x84: {  	s23 =	simm.s32 $0x80;
	s26 =	rddreg [dreg:$0xd];
	[tilespmem:s25+$0xFFFFFFF0] =	vst v2  }
0x85: {  	[hbm4b:s26+s23] =	stream.strided.scatter [tilespmem:s14], [sflag:$0x1], $0x2000, s13, s23, $0x38;
	[tilespmem:$0x10000] =	vst v63  }
0x86: {  	s29 =	rddreg [dreg:$0xa]  }
0x87: {  	[hbm4b:s29+s23] =	stream.strided.scatter [tilespmem:s14], [sflag:$0x1], $0x2000, s13, s23, $0x38;
	[tilespmem:$0x10000] =	vst v63  }
0x88: {  	s30 =	rddreg [dreg:$0xb]  }
0x89: {  	[hbm4b:s30+s23] =	stream.strided.scatter [tilespmem:s14], [sflag:$0x1], $0x2000, s13, s23, $0x38;
	[tilespmem:$0x10000] =	vst v63  }
0x8a: {  	s31 =	rddreg [dreg:$0x10]  }
0x8b: {  	[hbm4b:s31+s23] =	stream.strided.scatter [tilespmem:s14], [sflag:$0x1], $0x2000, s13, s23, $0x38;
	[tilespmem:$0x10000] =	vst v63  }
0x8c: {  	s25 =	rddreg [dreg:$0xc]  }
0x8d: {  	[hbm4b:s25+s23] =	stream.strided.scatter [tilespmem:s14], [sflag:$0x1], $0x2000, s13, s23, $0x38;
	[tilespmem:$0x10000] =	vst v63  }
0x8e: {  	s26 =	rddreg [dreg:$0xe]  }
0x8f: {  	[hbm4b:s26+s23] =	stream.strided.scatter [tilespmem:s14], [sflag:$0x1], $0x2000, s13, s23, $0x38;
	[tilespmem:$0x10000] =	vst v63  }
0x90: {  	s29 =	rddreg [dreg:$0xf]  }
0x91: {  	[hbm4b:s29+s23] =	stream.strided.scatter [tilespmem:s14], [sflag:$0x1], $0x2000, s13, s23, $0x38;
	[tilespmem:$0x10000] =	vst v63  }
0x92: {  	s30 =	rddreg [dreg:$0x11];
	s31 =	simm.s32 $0x10  }
0x93: {  	[hbm4b:s30+s23] =	stream.strided.scatter [tilespmem:s14], [sflag:$0x1], $0x2000, s13, s23, $0x38;
	[tilespmem:$0x10000] =	vst v63  }
0x94: {  	s23 =	sor.u32 s9, s31  }
0x95: {  	v1 =	vmov s23;
	s23 =	simm.s32 $0x0  }
0x96: {  	[tilespmem:s23+$0x4070] =	vst v1  }
0x97: {  	[tilespmem:s23+$0x4000] =	vst v1  }
0x98: {  	[tilespmem:s23+$0x4010] =	vst v1  }
0x99: {  	[tilespmem:s23+$0x4020] =	vst v1  }
0x9a: {  	s28 =	simm.s32 $0x10;
	[tilespmem:s23+$0x4030] =	vst v1  }
0x9b: {  	s24 =	simm.s32 $0x200;
	s25 =	simm.s32 $0x81;
	s26 =	simm.s32 $0x400;
	[tilespmem:s23+$0x4040] =	vst v1  }
.LBB2_6:
0x9c: {  	p0 =	sne.s32 s26, $0x7E00;
	s28 =	sor.u32 s9, s28;
	[tilespmem:s23+$0x4050] =	vst v1  }
0x9d: {  	[tilespmem:s23+$0x4060] =	vst v1;
	s23 =	sshra.s32 s24, $0x2;
	v1 =	vmov s28;
	s24 =	smov.u32 s26  }
0x9e: {  	[tilespmem:s23+$0x4070] =	vst v1  }
.Ltmp2:
0x9f: {  	[tilespmem:s23+$0x4000] =	vst v1;
	(pc) =	sbr.rel @p0 .LBB2_6-.Ltmp2, $4  }
0xa0: {  	[tilespmem:s23+$0x4010] =	vst v1  }
0xa1: {  	[tilespmem:s23+$0x4020] =	vst v1  }
0xa2: {  	s25 =	sadd.s32 $0x1, s25;
	[tilespmem:s23+$0x4030] =	vst v1  }
0xa3: {  	s28 =	sshrl.u32 s25, $0x3;
	s26 =	sadd.s32 $0x200, s26;
	[tilespmem:s23+$0x4040] =	vst v1  }
0xa4: {  	s25 =	sor.u32 s9, s28;
	[tilespmem:s23+$0x4050] =	vst v1  }
0xa5: {  	s24 =	sshra.s32 s24, $0x2;
	[tilespmem:s23+$0x4060] =	vst v1;
	v2 =	vmov s25  }
0xa6: {  	[tilespmem:s24+$0x4070] =	vst v2  }
0xa7: {  	[tilespmem:s24+$0x4000] =	vst v2  }
0xa8: {  	[tilespmem:s24+$0x4010] =	vst v2  }
0xa9: {  	[tilespmem:s24+$0x4020] =	vst v2  }
0xaa: {  	[tilespmem:s24+$0x4030] =	vst v2  }
0xab: {  	[tilespmem:s24+$0x4040] =	vst v2  }
0xac: {  	[tilespmem:s24+$0x4050] =	vst v2  }
0xad: {  	s29 =	rddreg [dreg:$0x2];
	[tilespmem:s24+$0x4060] =	vst v2  }
0xae: {  	[hbm4b:s29+s12] =	stream.strided.scatter [tilespmem:s15], [sflag:$0x1], $0x2000, s13, s12, $0x38;
	[tilespmem:$0x10000] =	vst v63  }
0xaf: {  	s30 =	rddreg [dreg:$0x12]  }
0xb0: {  	[hbm4b:s30+s12] =	stream.strided.scatter [tilespmem:s15], [sflag:$0x1], $0x2000, s13, s12, $0x38;
	[tilespmem:$0x10000] =	vst v63  }
0xb1: {  	s31 =	rddreg [dreg:$0x13]  }
0xb2: {  	[hbm4b:s31+s12] =	stream.strided.scatter [tilespmem:s15], [sflag:$0x1], $0x2000, s13, s12, $0x38;
	[tilespmem:$0x10000] =	vst v63  }
0xb3: {  	s24 =	rddreg [dreg:$0x14]  }
0xb4: {  	[hbm4b:s24+s12] =	stream.strided.scatter [tilespmem:s15], [sflag:$0x1], $0x2000, s13, s12, $0x38;
	[tilespmem:$0x10000] =	vst v63  }
0xb5: {  	s25 =	rddreg [dreg:$0x15]  }
0xb6: {  	[hbm4b:s25+s12] =	stream.strided.scatter [tilespmem:s15], [sflag:$0x1], $0x2000, s13, s12, $0x38;
	[tilespmem:$0x10000] =	vst v63  }
0xb7: {  	s26 =	rddreg [dreg:$0x16];
	s31 =	simm.s32 $0x18  }
0xb8: {  	[hbm4b:s26+s12] =	stream.strided.scatter [tilespmem:s15], [sflag:$0x1], $0x2000, s13, s12, $0x38;
	[tilespmem:$0x10000] =	vst v63  }
0xb9: {  	s29 =	rddreg [dreg:$0x17];
	s23 =	sor.u32 s9, s31  }
0xba: {  	[hbm4b:s29+s12] =	stream.strided.scatter [tilespmem:s15], [sflag:$0x1], $0x2000, s13, s12, $0x38;
	[tilespmem:$0x10000] =	vst v63  }
0xbb: {  	s30 =	rddreg [dreg:$0x18];
	v1 =	vmov s23;
	s23 =	simm.s32 $0x0  }
0xbc: {  	[hbm4b:s30+s12] =	stream.strided.scatter [tilespmem:s15], [sflag:$0x1], $0x2000, s13, s12, $0x38;
	[tilespmem:$0x10000] =	vst v63  }
0xbd: {  	[tilespmem:s23+$0x6070] =	vst v1  }
0xbe: {  	[tilespmem:s23+$0x6000] =	vst v1  }
0xbf: {  	[tilespmem:s23+$0x6010] =	vst v1  }
0xc0: {  	[tilespmem:s23+$0x6020] =	vst v1  }
0xc1: {  	s28 =	simm.s32 $0x18;
	[tilespmem:s23+$0x6030] =	vst v1  }
0xc2: {  	s24 =	simm.s32 $0x200;
	s25 =	simm.s32 $0xC1;
	s26 =	simm.s32 $0x400;
	[tilespmem:s23+$0x6040] =	vst v1  }
.LBB2_8:
0xc3: {  	p0 =	sne.s32 s26, $0x7E00;
	s28 =	sor.u32 s9, s28;
	[tilespmem:s23+$0x6050] =	vst v1  }
0xc4: {  	[tilespmem:s23+$0x6060] =	vst v1;
	s23 =	sshra.s32 s24, $0x2;
	v1 =	vmov s28;
	s24 =	smov.u32 s26  }
0xc5: {  	[tilespmem:s23+$0x6070] =	vst v1  }
.Ltmp3:
0xc6: {  	[tilespmem:s23+$0x6000] =	vst v1;
	(pc) =	sbr.rel @p0 .LBB2_8-.Ltmp3, $4  }
0xc7: {  	[tilespmem:s23+$0x6010] =	vst v1  }
0xc8: {  	[tilespmem:s23+$0x6020] =	vst v1  }
0xc9: {  	s25 =	sadd.s32 $0x1, s25;
	[tilespmem:s23+$0x6030] =	vst v1  }
0xca: {  	s28 =	sshrl.u32 s25, $0x3;
	s26 =	sadd.s32 $0x200, s26;
	[tilespmem:s23+$0x6040] =	vst v1  }
0xcb: {  	s25 =	sor.u32 s9, s28;
	[tilespmem:s23+$0x6050] =	vst v1  }
0xcc: {  	s24 =	sshra.s32 s24, $0x2;
	[tilespmem:s23+$0x6060] =	vst v1;
	v2 =	vmov s25  }
0xcd: {  	[tilespmem:s24+$0x6070] =	vst v2  }
0xce: {  	[tilespmem:s24+$0x6000] =	vst v2  }
0xcf: {  	[tilespmem:s24+$0x6010] =	vst v2  }
0xd0: {  	[tilespmem:s24+$0x6020] =	vst v2  }
0xd1: {  	[tilespmem:s24+$0x6030] =	vst v2  }
0xd2: {  	[tilespmem:s24+$0x6040] =	vst v2  }
0xd3: {  	[tilespmem:s24+$0x6050] =	vst v2  }
0xd4: {  	s26 =	rddreg [dreg:$0x1e];
	[tilespmem:s24+$0x6060] =	vst v2  }
0xd5: {  	[hbm4b:s26+s12] =	stream.strided.scatter [tilespmem:s16], [sflag:$0x1], $0x2000, s13, s12, $0x38;
	[tilespmem:$0x10000] =	vst v63  }
0xd6: {  	s28 =	rddreg [dreg:$0x19]  }
0xd7: {  	[hbm4b:s28+s12] =	stream.strided.scatter [tilespmem:s16], [sflag:$0x1], $0x2000, s13, s12, $0x38;
	[tilespmem:$0x10000] =	vst v63  }
0xd8: {  	s29 =	rddreg [dreg:$0x1a]  }
0xd9: {  	[hbm4b:s29+s12] =	stream.strided.scatter [tilespmem:s16], [sflag:$0x1], $0x2000, s13, s12, $0x38;
	[tilespmem:$0x10000] =	vst v63  }
0xda: {  	s30 =	rddreg [dreg:$0x1b]  }
0xdb: {  	[hbm4b:s30+s12] =	stream.strided.scatter [tilespmem:s16], [sflag:$0x1], $0x2000, s13, s12, $0x38;
	[tilespmem:$0x10000] =	vst v63  }
0xdc: {  	s31 =	rddreg [dreg:$0x1c]  }
0xdd: {  	[hbm4b:s31+s12] =	stream.strided.scatter [tilespmem:s16], [sflag:$0x1], $0x2000, s13, s12, $0x38;
	[tilespmem:$0x10000] =	vst v63  }
0xde: {  	s24 =	rddreg [dreg:$0x1d];
	s28 =	simm.s32 $0x0  }
0xdf: {  	[hbm4b:s24+s12] =	stream.strided.scatter [tilespmem:s16], [sflag:$0x1], $0x2000, s13, s12, $0x38;
	[tilespmem:$0x10000] =	vst v63  }
0xe0: {  	s25 =	rddreg [dreg:$0x1f];
	s24 =	sand.u32 $0x380, s28  }
0xe1: {  	s26 =	sld [smem:$0x7E5];
	s29 =	sor.u32 $0x70, s24  }
0xe2: {  	[hbm4b:s25+s12] =	stream.strided.scatter [tilespmem:s16], [sflag:$0x1], $0x2000, s13, s12, $0x38;
	[tilespmem:$0x10000] =	vst v63  }
0xe3: {  	s23 =	simm.s32 $0x8040;
	v1 =	vor.u32 s29, v0;
	s29 =	sor.u32 $0x50, s24  }
0xe4: {  	[hbm4b:s26+s12] =	stream.strided.scatter [tilespmem:s16], [sflag:$0x1], $0x2000, s13, s12, $0x38;
	[tilespmem:$0x10000] =	vst v63  }
0xe5: {  	v3 =	vor.u32 s29, v0;
	s26 =	sor.u32 $0x10, s24;
	[tilespmem:s23+$0x30] =	vst v1  }
0xe6: {  	s30 =	sor.u32 $0x20, s24;
	v2 =	vor.u32 s26, v0;
	[tilespmem:s23+$0x10] =	vst v3  }
0xe7: {  	s31 =	sor.u32 $0x30, s24;
	v1 =	vor.u32 s30, v0;
	[tilespmem:s23+$0xFFFFFFD0] =	vst v2  }
0xe8: {  	s28 =	sor.u32 $0x40, s24;
	v2 =	vor.u32 s31, v0;
	[tilespmem:s23+$0xFFFFFFE0] =	vst v1  }
0xe9: {  	s30 =	simm.s32 $0x80;
	v1 =	vor.u32 s28, v0;
	s31 =	sor.u32 $0x60, s24;
	[tilespmem:s23+$0xFFFFFFF0] =	vst v2  }
0xea: {  	s25 =	simm.s32 $0x100;
	[tilespmem:s23+$0x0] =	vst v1;
	v1 =	vor.u32 s24, v0;
	v2 =	vor.u32 s31, v0;
	s24 =	sand.u32 $0x380, s30  }
.LBB2_10:
0xeb: {  	p0 =	sne.s32 s25, $0x1F80;
	v3 =	vor.u32 s24, v0;
	s26 =	sor.u32 $0x10, s24;
	s28 =	sor.u32 $0x70, s24;
	[tilespmem:s23+$0x20] =	vst v2  }
0xec: {  	s29 =	sor.u32 $0x30, s24;
	v2 =	vor.u32 s26, v0;
	s26 =	sor.u32 $0x20, s24;
	v4 =	vor.u32 s28, v0;
	[tilespmem:s23+$0xFFFFFFC0] =	vst v1;
	s23 =	sadd.s32 $0x80, s23;
	v1 =	vmov v3  }
0xed: {  	v5 =	vor.u32 s29, v0;
	s28 =	sor.u32 $0x50, s24;
	v3 =	vor.u32 s26, v0;
	s26 =	sor.u32 $0x40, s24;
	s24 =	sor.u32 $0x60, s24;
	[tilespmem:s23+$0x30] =	vst v4  }
.Ltmp4:
0xee: {  	v6 =	vor.u32 s28, v0;
	[tilespmem:s23+$0xFFFFFFD0] =	vst v2;
	v4 =	vor.u32 s26, v0;
	v2 =	vor.u32 s24, v0;
	(pc) =	sbr.rel @p0 .LBB2_10-.Ltmp4, $4  }
0xef: {  	[tilespmem:s23+$0xFFFFFFE0] =	vst v3  }
0xf0: {  	[tilespmem:s23+$0xFFFFFFF0] =	vst v5  }
0xf1: {  	[tilespmem:s23+$0x0] =	vst v4  }
0xf2: {  	s24 =	sand.u32 $0x380, s25;
	s25 =	sadd.s32 $0x80, s25;
	[tilespmem:s23+$0x10] =	vst v6  }
0xf3: {  	s25 =	sor.u32 $0x70, s24;
	[tilespmem:s23+$0x20] =	vst v2  }
0xf4: {  	s26 =	sor.u32 $0x10, s24;
	[tilespmem:s23+$0xFFFFFFC0] =	vst v1;
	s23 =	sadd.s32 $0x80, s23;
	v2 =	vor.u32 s25, v0  }
0xf5: {  	v1 =	vor.u32 s26, v0;
	s26 =	sor.u32 $0x20, s24;
	[tilespmem:s23+$0x30] =	vst v2  }
0xf6: {  	s28 =	sor.u32 $0x30, s24;
	v2 =	vor.u32 s26, v0;
	[tilespmem:s23+$0xFFFFFFD0] =	vst v1  }
0xf7: {  	s29 =	sor.u32 $0x40, s24;
	v1 =	vor.u32 s28, v0;
	[tilespmem:s23+$0xFFFFFFE0] =	vst v2  }
0xf8: {  	s30 =	sor.u32 $0x50, s24;
	v2 =	vor.u32 s29, v0;
	[tilespmem:s23+$0xFFFFFFF0] =	vst v1  }
0xf9: {  	s31 =	sor.u32 $0x60, s24;
	v1 =	vor.u32 s30, v0;
	[tilespmem:s23+$0x0] =	vst v2  }
0xfa: {  	s28 =	sld [smem:$0x7F1];
	v2 =	vor.u32 s31, v0;
	[tilespmem:s23+$0x10] =	vst v1  }
0xfb: {  	v1 =	vor.u32 s24, v0;
	[tilespmem:s23+$0x20] =	vst v2  }
0xfc: {  	s29 =	sld [smem:$0x7E6];
	[tilespmem:s23+$0xFFFFFFC0] =	vst v1  }
0xfd: {  	[hbm4b:s28+s12] =	stream.strided.scatter [tilespmem:s17], [sflag:$0x1], $0x2000, s13, s12, $0x38;
	[tilespmem:$0x10000] =	vst v63  }
0xfe: {  	s30 =	sld [smem:$0x7E7]  }
0xff: {  	[hbm4b:s29+s12] =	stream.strided.scatter [tilespmem:s17], [sflag:$0x1], $0x2000, s13, s12, $0x38;
	[tilespmem:$0x10000] =	vst v63  }
0x100: {  	s31 =	sld [smem:$0x7E8]  }
0x101: {  	[hbm4b:s30+s12] =	stream.strided.scatter [tilespmem:s17], [sflag:$0x1], $0x2000, s13, s12, $0x38;
	[tilespmem:$0x10000] =	vst v63  }
0x102: {  	s24 =	sld [smem:$0x7E9]  }
0x103: {  	[hbm4b:s31+s12] =	stream.strided.scatter [tilespmem:s17], [sflag:$0x1], $0x2000, s13, s12, $0x38;
	[tilespmem:$0x10000] =	vst v63  }
0x104: {  	s25 =	sld [smem:$0x7EA]  }
0x105: {  	[hbm4b:s24+s12] =	stream.strided.scatter [tilespmem:s17], [sflag:$0x1], $0x2000, s13, s12, $0x38;
	[tilespmem:$0x10000] =	vst v63  }
0x106: {  	s26 =	sld [smem:$0x7EC];
	s29 =	simm.s32 $0x2000  }
0x107: {  	[hbm4b:s25+s12] =	stream.strided.scatter [tilespmem:s17], [sflag:$0x1], $0x2000, s13, s12, $0x38;
	[tilespmem:$0x10000] =	vst v63  }
0x108: {  	s28 =	sld [smem:$0x7ED];
	s24 =	sand.u32 $0x380, s29  }
0x109: {  	[hbm4b:s26+s12] =	stream.strided.scatter [tilespmem:s17], [sflag:$0x1], $0x2000, s13, s12, $0x38;
	[tilespmem:$0x10000] =	vst v63  }
0x10a: {  	s23 =	simm.s32 $0xA070;
	s30 =	sor.u32 $0x70, s24;
	s31 =	sor.u32 $0x10, s24  }
0x10b: {  	v1 =	vor.u32 s30, v0;
	[hbm4b:s28+s12] =	stream.strided.scatter [tilespmem:s17], [sflag:$0x1], $0x2000, s13, s12, $0x38;
	[tilespmem:$0x10000] =	vst v63  }
0x10c: {  	v2 =	vor.u32 s31, v0;
	s30 =	sor.u32 $0x50, s24;
	[tilespmem:s23+$0x0] =	vst v1  }
0x10d: {  	v3 =	vor.u32 s30, v0;
	s26 =	sor.u32 $0x20, s24;
	[tilespmem:s23+$0xFFFFFFA0] =	vst v2  }
0x10e: {  	s28 =	sor.u32 $0x30, s24;
	v1 =	vor.u32 s26, v0;
	[tilespmem:s23+$0xFFFFFFE0] =	vst v3  }
0x10f: {  	s29 =	sor.u32 $0x40, s24;
	v2 =	vor.u32 s28, v0;
	[tilespmem:s23+$0xFFFFFFB0] =	vst v1  }
0x110: {  	s31 =	simm.s32 $0x2080;
	s28 =	sor.u32 $0x60, s24;
	v1 =	vor.u32 s29, v0;
	[tilespmem:s23+$0xFFFFFFC0] =	vst v2  }
0x111: {  	s25 =	simm.s32 $0x2100;
	v2 =	vor.u32 s28, v0;
	[tilespmem:s23+$0xFFFFFFD0] =	vst v1;
	v1 =	vor.u32 s24, v0;
	s24 =	sand.u32 $0x380, s31  }
.LBB2_12:
0x112: {  	p0 =	sne.s32 s25, $0x3F80;
	v3 =	vor.u32 s24, v0;
	s26 =	sor.u32 $0x10, s24;
	s28 =	sor.u32 $0x70, s24;
	[tilespmem:s23+$0xFFFFFFF0] =	vst v2  }
0x113: {  	s29 =	sor.u32 $0x30, s24;
	v2 =	vor.u32 s26, v0;
	s26 =	sor.u32 $0x20, s24;
	v4 =	vor.u32 s28, v0;
	[tilespmem:s23+$0xFFFFFF90] =	vst v1;
	s23 =	sadd.s32 $0x80, s23;
	v1 =	vmov v3  }
0x114: {  	v5 =	vor.u32 s29, v0;
	s28 =	sor.u32 $0x50, s24;
	v3 =	vor.u32 s26, v0;
	s26 =	sor.u32 $0x40, s24;
	s24 =	sor.u32 $0x60, s24;
	[tilespmem:s23+$0x0] =	vst v4  }
.Ltmp5:
0x115: {  	v6 =	vor.u32 s28, v0;
	[tilespmem:s23+$0xFFFFFFA0] =	vst v2;
	v4 =	vor.u32 s26, v0;
	v2 =	vor.u32 s24, v0;
	(pc) =	sbr.rel @p0 .LBB2_12-.Ltmp5, $4  }
0x116: {  	[tilespmem:s23+$0xFFFFFFB0] =	vst v3  }
0x117: {  	[tilespmem:s23+$0xFFFFFFC0] =	vst v5  }
0x118: {  	[tilespmem:s23+$0xFFFFFFD0] =	vst v4  }
0x119: {  	s24 =	sand.u32 $0x380, s25;
	s25 =	sadd.s32 $0x80, s25;
	[tilespmem:s23+$0xFFFFFFE0] =	vst v6  }
0x11a: {  	s25 =	sor.u32 $0x70, s24;
	[tilespmem:s23+$0xFFFFFFF0] =	vst v2  }
0x11b: {  	s26 =	sor.u32 $0x10, s24;
	[tilespmem:s23+$0xFFFFFF90] =	vst v1;
	s23 =	sadd.s32 $0x80, s23;
	v2 =	vor.u32 s25, v0  }
0x11c: {  	s30 =	sor.u32 $0x20, s24;
	v1 =	vor.u32 s26, v0;
	[tilespmem:s23+$0x0] =	vst v2  }
0x11d: {  	s31 =	sor.u32 $0x30, s24;
	v2 =	vor.u32 s30, v0;
	[tilespmem:s23+$0xFFFFFFA0] =	vst v1  }
0x11e: {  	s29 =	sor.u32 $0x40, s24;
	v1 =	vor.u32 s31, v0;
	[tilespmem:s23+$0xFFFFFFB0] =	vst v2  }
0x11f: {  	s30 =	sor.u32 $0x50, s24;
	v2 =	vor.u32 s29, v0;
	[tilespmem:s23+$0xFFFFFFC0] =	vst v1  }
0x120: {  	s31 =	sor.u32 $0x60, s24;
	v1 =	vor.u32 s30, v0;
	[tilespmem:s23+$0xFFFFFFD0] =	vst v2  }
0x121: {  	s25 =	sld [smem:$0x7F4];
	v2 =	vor.u32 s31, v0;
	[tilespmem:s23+$0xFFFFFFE0] =	vst v1  }
0x122: {  	v1 =	vor.u32 s24, v0;
	[tilespmem:s23+$0xFFFFFFF0] =	vst v2  }
0x123: {  	s26 =	sld [smem:$0x7EE];
	[tilespmem:s23+$0xFFFFFF90] =	vst v1  }
0x124: {  	[hbm4b:s25+s12] =	stream.strided.scatter [tilespmem:s18], [sflag:$0x1], $0x2000, s13, s12, $0x38;
	[tilespmem:$0x10000] =	vst v63  }
0x125: {  	s29 =	sld [smem:$0x7EF]  }
0x126: {  	[hbm4b:s26+s12] =	stream.strided.scatter [tilespmem:s18], [sflag:$0x1], $0x2000, s13, s12, $0x38;
	[tilespmem:$0x10000] =	vst v63  }
0x127: {  	s30 =	sld [smem:$0x7F0]  }
0x128: {  	[hbm4b:s29+s12] =	stream.strided.scatter [tilespmem:s18], [sflag:$0x1], $0x2000, s13, s12, $0x38;
	[tilespmem:$0x10000] =	vst v63  }
0x129: {  	s31 =	sld [smem:$0x7F2]  }
0x12a: {  	[hbm4b:s30+s12] =	stream.strided.scatter [tilespmem:s18], [sflag:$0x1], $0x2000, s13, s12, $0x38;
	[tilespmem:$0x10000] =	vst v63  }
0x12b: {  	s24 =	sld [smem:$0x7F3]  }
0x12c: {  	[hbm4b:s31+s12] =	stream.strided.scatter [tilespmem:s18], [sflag:$0x1], $0x2000, s13, s12, $0x38;
	[tilespmem:$0x10000] =	vst v63  }
0x12d: {  	s25 =	sld [smem:$0x7F5];
	s29 =	simm.s32 $0x4000  }
0x12e: {  	[hbm4b:s24+s12] =	stream.strided.scatter [tilespmem:s18], [sflag:$0x1], $0x2000, s13, s12, $0x38;
	[tilespmem:$0x10000] =	vst v63  }
0x12f: {  	s26 =	sld [smem:$0x7F6];
	s24 =	sand.u32 $0x380, s29  }
0x130: {  	[hbm4b:s25+s12] =	stream.strided.scatter [tilespmem:s18], [sflag:$0x1], $0x2000, s13, s12, $0x38;
	[tilespmem:$0x10000] =	vst v63  }
0x131: {  	s23 =	simm.s32 $0x0;
	s30 =	sor.u32 $0x70, s24;
	s31 =	sor.u32 $0x10, s24  }
0x132: {  	v1 =	vor.u32 s30, v0;
	[hbm4b:s26+s12] =	stream.strided.scatter [tilespmem:s18], [sflag:$0x1], $0x2000, s13, s12, $0x38;
	[tilespmem:$0x10000] =	vst v63  }
0x133: {  	v2 =	vor.u32 s31, v0;
	s31 =	sor.u32 $0x50, s24;
	[tilespmem:s23+$0xC070] =	vst v1  }
0x134: {  	v3 =	vor.u32 s31, v0;
	s26 =	sor.u32 $0x20, s24;
	[tilespmem:s23+$0xC010] =	vst v2  }
0x135: {  	s29 =	sor.u32 $0x30, s24;
	v1 =	vor.u32 s26, v0;
	[tilespmem:s23+$0xC050] =	vst v3  }
0x136: {  	s30 =	sor.u32 $0x40, s24;
	v2 =	vor.u32 s29, v0;
	[tilespmem:s23+$0xC020] =	vst v1  }
0x137: {  	s25 =	simm.s32 $0x4080;
	s29 =	sor.u32 $0x60, s24;
	v1 =	vor.u32 s30, v0;
	[tilespmem:s23+$0xC030] =	vst v2  }
0x138: {  	s28 =	simm.s32 $0x200;
	s26 =	simm.s32 $0x400;
	v2 =	vor.u32 s29, v0;
	[tilespmem:s23+$0xC040] =	vst v1;
	v1 =	vor.u32 s24, v0;
	s24 =	sand.u32 $0x380, s25  }
.LBB2_14:
0x139: {  	p0 =	sne.s32 s26, $0x7E00;
	v3 =	vor.u32 s24, v0;
	s29 =	sor.u32 $0x10, s24;
	s30 =	sor.u32 $0x70, s24;
	[tilespmem:s23+$0xC060] =	vst v2  }
0x13a: {  	s31 =	sor.u32 $0x30, s24;
	v2 =	vor.u32 s29, v0;
	s29 =	sor.u32 $0x20, s24;
	v4 =	vor.u32 s30, v0;
	[tilespmem:s23+$0xC000] =	vst v1;
	s23 =	sshra.s32 s28, $0x2;
	v1 =	vmov v3  }
0x13b: {  	v5 =	vor.u32 s31, v0;
	s28 =	sor.u32 $0x40, s24;
	v3 =	vor.u32 s29, v0;
	s29 =	sor.u32 $0x50, s24;
	s24 =	sor.u32 $0x60, s24;
	[tilespmem:s23+$0xC070] =	vst v4  }
.Ltmp6:
0x13c: {  	v4 =	vor.u32 s28, v0;
	s28 =	smov.u32 s26;
	[tilespmem:s23+$0xC010] =	vst v2;
	v6 =	vor.u32 s29, v0;
	v2 =	vor.u32 s24, v0;
	(pc) =	sbr.rel @p0 .LBB2_14-.Ltmp6, $4  }
0x13d: {  	[tilespmem:s23+$0xC020] =	vst v3  }
0x13e: {  	[tilespmem:s23+$0xC030] =	vst v5  }
0x13f: {  	s25 =	sadd.s32 $0x80, s25;
	[tilespmem:s23+$0xC040] =	vst v4  }
0x140: {  	s26 =	sadd.s32 $0x200, s26;
	s24 =	sand.u32 $0x380, s25;
	[tilespmem:s23+$0xC050] =	vst v6  }
0x141: {  	s25 =	sor.u32 $0x70, s24;
	[tilespmem:s23+$0xC060] =	vst v2  }
0x142: {  	s26 =	sor.u32 $0x10, s24;
	s28 =	sshra.s32 s28, $0x2;
	[tilespmem:s23+$0xC000] =	vst v1;
	v2 =	vor.u32 s25, v0  }
0x143: {  	v1 =	vor.u32 s26, v0;
	s25 =	sor.u32 $0x20, s24;
	[tilespmem:s28+$0xC070] =	vst v2  }
0x144: {  	s26 =	sor.u32 $0x30, s24;
	v2 =	vor.u32 s25, v0;
	[tilespmem:s28+$0xC010] =	vst v1  }
0x145: {  	s29 =	sor.u32 $0x40, s24;
	v1 =	vor.u32 s26, v0;
	[tilespmem:s28+$0xC020] =	vst v2  }
0x146: {  	s30 =	sor.u32 $0x50, s24;
	v2 =	vor.u32 s29, v0;
	[tilespmem:s28+$0xC030] =	vst v1  }
0x147: {  	s31 =	sor.u32 $0x60, s24;
	v1 =	vor.u32 s30, v0;
	[tilespmem:s28+$0xC040] =	vst v2  }
0x148: {  	s26 =	sld [smem:$0x7FA];
	v2 =	vor.u32 s31, v0;
	[tilespmem:s28+$0xC050] =	vst v1  }
0x149: {  	v1 =	vor.u32 s24, v0;
	[tilespmem:s28+$0xC060] =	vst v2  }
0x14a: {  	s29 =	sld [smem:$0x7F7];
	[tilespmem:s28+$0xC000] =	vst v1  }
0x14b: {  	[hbm4b:s26+s12] =	stream.strided.scatter [tilespmem:s19], [sflag:$0x1], $0x2000, s13, s12, $0x38;
	[tilespmem:$0x10000] =	vst v63  }
0x14c: {  	s30 =	sld [smem:$0x7F8]  }
0x14d: {  	[hbm4b:s29+s12] =	stream.strided.scatter [tilespmem:s19], [sflag:$0x1], $0x2000, s13, s12, $0x38;
	[tilespmem:$0x10000] =	vst v63  }
0x14e: {  	s31 =	sld [smem:$0x7FD]  }
0x14f: {  	[hbm4b:s30+s12] =	stream.strided.scatter [tilespmem:s19], [sflag:$0x1], $0x2000, s13, s12, $0x38;
	[tilespmem:$0x10000] =	vst v63  }
0x150: {  	s24 =	sld [smem:$0x7F9]  }
0x151: {  	[hbm4b:s31+s12] =	stream.strided.scatter [tilespmem:s19], [sflag:$0x1], $0x2000, s13, s12, $0x38;
	[tilespmem:$0x10000] =	vst v63  }
0x152: {  	s25 =	sld [smem:$0x7FB]  }
0x153: {  	[hbm4b:s24+s12] =	stream.strided.scatter [tilespmem:s19], [sflag:$0x1], $0x2000, s13, s12, $0x38;
	[tilespmem:$0x10000] =	vst v63  }
0x154: {  	s26 =	sld [smem:$0x7FC];
	s29 =	simm.s32 $0x6000  }
0x155: {  	[hbm4b:s25+s12] =	stream.strided.scatter [tilespmem:s19], [sflag:$0x1], $0x2000, s13, s12, $0x38;
	[tilespmem:$0x10000] =	vst v63  }
0x156: {  	s24 =	sand.u32 $0x380, s29  }
0x157: {  	[hbm4b:s26+s12] =	stream.strided.scatter [tilespmem:s19], [sflag:$0x1], $0x2000, s13, s12, $0x38;
	[tilespmem:$0x10000] =	vst v63  }
0x158: {  	s23 =	simm.s32 $0x0;
	s30 =	sor.u32 $0x70, s24;
	s31 =	sor.u32 $0x10, s24  }
0x159: {  	v1 =	vor.u32 s30, v0;
	[hbm4b:s1+s12] =	stream.strided.scatter [tilespmem:s19], [sflag:$0x1], $0x2000, s13, s12, $0x38;
	[tilespmem:$0x10000] =	vst v63  }
0x15a: {  	v2 =	vor.u32 s31, v0;
	s31 =	sor.u32 $0x50, s24;
	[tilespmem:s23+$0xE070] =	vst v1  }
0x15b: {  	v3 =	vor.u32 s31, v0;
	s26 =	sor.u32 $0x20, s24;
	[tilespmem:s23+$0xE010] =	vst v2  }
0x15c: {  	s29 =	sor.u32 $0x30, s24;
	v1 =	vor.u32 s26, v0;
	[tilespmem:s23+$0xE050] =	vst v3  }
0x15d: {  	s30 =	sor.u32 $0x40, s24;
	v2 =	vor.u32 s29, v0;
	[tilespmem:s23+$0xE020] =	vst v1  }
0x15e: {  	s25 =	simm.s32 $0x6080;
	s29 =	sor.u32 $0x60, s24;
	v1 =	vor.u32 s30, v0;
	[tilespmem:s23+$0xE030] =	vst v2  }
0x15f: {  	s28 =	simm.s32 $0x200;
	s26 =	simm.s32 $0x400;
	v2 =	vor.u32 s29, v0;
	[tilespmem:s23+$0xE040] =	vst v1;
	v1 =	vor.u32 s24, v0;
	s24 =	sand.u32 $0x380, s25  }
.LBB2_16:
0x160: {  	p0 =	sne.s32 s26, $0x7E00;
	v3 =	vor.u32 s24, v0;
	s29 =	sor.u32 $0x10, s24;
	s30 =	sor.u32 $0x70, s24;
	[tilespmem:s23+$0xE060] =	vst v2  }
0x161: {  	s31 =	sor.u32 $0x30, s24;
	v2 =	vor.u32 s29, v0;
	s29 =	sor.u32 $0x20, s24;
	v4 =	vor.u32 s30, v0;
	[tilespmem:s23+$0xE000] =	vst v1;
	s23 =	sshra.s32 s28, $0x2;
	v1 =	vmov v3  }
0x162: {  	v5 =	vor.u32 s31, v0;
	s28 =	sor.u32 $0x40, s24;
	v3 =	vor.u32 s29, v0;
	s29 =	sor.u32 $0x50, s24;
	s24 =	sor.u32 $0x60, s24;
	[tilespmem:s23+$0xE070] =	vst v4  }
.Ltmp7:
0x163: {  	v4 =	vor.u32 s28, v0;
	s28 =	smov.u32 s26;
	[tilespmem:s23+$0xE010] =	vst v2;
	v6 =	vor.u32 s29, v0;
	v2 =	vor.u32 s24, v0;
	(pc) =	sbr.rel @p0 .LBB2_16-.Ltmp7, $4  }
0x164: {  	[tilespmem:s23+$0xE020] =	vst v3  }
0x165: {  	[tilespmem:s23+$0xE030] =	vst v5  }
0x166: {  	s25 =	sadd.s32 $0x80, s25;
	[tilespmem:s23+$0xE040] =	vst v4  }
0x167: {  	s26 =	sadd.s32 $0x200, s26;
	s24 =	sand.u32 $0x380, s25;
	[tilespmem:s23+$0xE050] =	vst v6  }
0x168: {  	s25 =	sor.u32 $0x70, s24;
	[tilespmem:s23+$0xE060] =	vst v2  }
0x169: {  	s26 =	sor.u32 $0x10, s24;
	s28 =	sshra.s32 s28, $0x2;
	[tilespmem:s23+$0xE000] =	vst v1;
	v2 =	vor.u32 s25, v0  }
0x16a: {  	v1 =	vor.u32 s26, v0;
	s25 =	sor.u32 $0x20, s24;
	[tilespmem:s28+$0xE070] =	vst v2  }
0x16b: {  	s26 =	sor.u32 $0x30, s24;
	v2 =	vor.u32 s25, v0;
	[tilespmem:s28+$0xE010] =	vst v1  }
0x16c: {  	s29 =	sor.u32 $0x40, s24;
	v1 =	vor.u32 s26, v0;
	[tilespmem:s28+$0xE020] =	vst v2  }
0x16d: {  	s30 =	sor.u32 $0x50, s24;
	v2 =	vor.u32 s29, v0;
	[tilespmem:s28+$0xE030] =	vst v1  }
0x16e: {  	s31 =	sor.u32 $0x60, s24;
	v1 =	vor.u32 s30, v0;
	[tilespmem:s28+$0xE040] =	vst v2  }
0x16f: {  	v2 =	vor.u32 s31, v0;
	[tilespmem:s28+$0xE050] =	vst v1  }
0x170: {  	v1 =	vor.u32 s24, v0;
	[tilespmem:s28+$0xE060] =	vst v2  }
0x171: {  	[tilespmem:s28+$0xE000] =	vst v1  }
0x172: {  	[hbm4b:s7+s12] =	stream.strided.scatter [tilespmem:s20], [sflag:$0x1], $0x2000, s13, s12, $0x38;
	[tilespmem:$0x10000] =	vst v63  }
0x173: {  	_ = 	snop  }
0x174: {  	[hbm4b:s0+s12] =	stream.strided.scatter [tilespmem:s20], [sflag:$0x1], $0x2000, s13, s12, $0x38;
	[tilespmem:$0x10000] =	vst v63  }
0x175: {  	_ = 	snop  }
0x176: {  	[hbm4b:s4+s12] =	stream.strided.scatter [tilespmem:s20], [sflag:$0x1], $0x2000, s13, s12, $0x38;
	[tilespmem:$0x10000] =	vst v63  }
0x177: {  	_ = 	snop  }
0x178: {  	[hbm4b:s5+s12] =	stream.strided.scatter [tilespmem:s20], [sflag:$0x1], $0x2000, s13, s12, $0x38;
	[tilespmem:$0x10000] =	vst v63  }
0x179: {  	_ = 	snop  }
0x17a: {  	[hbm4b:s6+s12] =	stream.strided.scatter [tilespmem:s20], [sflag:$0x1], $0x2000, s13, s12, $0x38;
	[tilespmem:$0x10000] =	vst v63  }
0x17b: {  	_ = 	snop  }
0x17c: {  	[hbm4b:s8+s12] =	stream.strided.scatter [tilespmem:s20], [sflag:$0x1], $0x2000, s13, s12, $0x38;
	[tilespmem:$0x10000] =	vst v63  }
0x17d: {  	_ = 	snop  }
0x17e: {  	[hbm4b:s10+s12] =	stream.strided.scatter [tilespmem:s20], [sflag:$0x1], $0x2000, s13, s12, $0x38;
	[tilespmem:$0x10000] =	vst v63  }
0x17f: {  	_ = 	snop  }
0x180: {  	[hbm4b:s11+s12] =	stream.strided.scatter [tilespmem:s20], [sflag:$0x1], $0x2000, s13, s12, $0x38;
	[tilespmem:$0x10000] =	vst v63  }
0x181: {  	_ =	swait.ge [sflag:s21], $0x2000  }
0x182: {  	s23 =	simm.s32 $0x3F;
	[sflag:s21] =	ssyncset.done $0x0  }
.LBB2_18:
0x183: {  	p0 =	sne.s32 s23, $0x1;
	s23 =	sadd.s32 $0xFFFFFFFF, s23;
	[sflag:s21] =	ssyncadd.s32 $0xFFFFE000  }
.Ltmp8:
0x184: {  	(pc) =	sbr.rel @p0 .LBB2_18-.Ltmp8, $3  }
0x185: {  	_ =	sdelay $0x1  }
0x186: {  	_ =	swait.ge [sflag:s21], $0x2000  }
0x187: {  	[sflag:s21] =	ssyncset.done $0x0  }
0x188: {  	s23 =	sld [smem:$0x7EB];
	_ =	sdelay $0x1  }
0x189: {  	s22 =	sadd.s32 $0x1, s22  }
0x18a: {  	p0 =	sne.s32 s22, s23  }
.Ltmp9:
0x18b: {  	_ = 	snop;
	(pc) =	sbr.rel @p0 .LBB2_1-.Ltmp9, $2  }
0x18c: {  	_ =	sdelay $0x2  }
0x18d: {  	[sflag:s21] =	ssyncadd.s32 $0xFFFFE000  }
0x18e: {  	_ =	sfence.sel $0x180000  }
0x18f: {  	[bflag:$0x0] =	sbarrier.arrive $0xFFFF  }
0x190: {  	_ =	strace $0x90000047  }
0x191: {  	s0 =	stileid.u32;
	[bflag:$0x2] =	sbarrier.arrive $0xFFFF  }
0x192: {  	p0 =	sne.s32 s0, $0x0;
	s0 =	rddreg [dreg:$0x1]  }
0x193: {  	s0 =	sadd.s32 @!p0 $0x100000, s0  }
0x194: {  	[sflag:s0] =	ssyncadd.tile.s32 @!p0 $0x1;
	_ =	shalt  }
.Lfunc_end2:
_tile_overlayer_lowered:
.L_overlay_start_2:
0x195: {  	(tag) =	ssettag $0x2  }
0x196: {  	s0 =	rddreg [dreg:$0x0];
	s2 =	stileid.u32  }
0x197: {  	s1 =	rddreg [dreg:$0x1];
	p0 =	sne.s32 s2, $0x0  }
0x198: {  	s3 =	rddreg [dreg:$0x2];
	[bflag:$0x3] =	sbarrier.arrive $0xFFFF;
	s2 =	simm.s32 @!p0 $0x1C02  }
0x199: {  	[timem:s3], [sflag:s2] =	dma.local @!p0 [hbm:s0], s1  }
0x19a: {  	s0 =	simm.s32 @!p0 $0x2  }
0x19b: {  	_ =	swait.ge @!p0 [sflag:s0], s1  }
0x19c: {  	s1 =	ssub.s32 @!p0 $0x0, s1;
	[sflag:s0] =	ssyncset.done @!p0 $0x0  }
0x19d: {  	[sflag:s0] =	ssyncadd.s32 @!p0 s1  }
0x19e: {  	[bflag:$0x3] =	sbarrier.arrive $0xFFFF  }
0x19f: {  	_ =	shalt  }

</sc_bundles>
